<compile_context>
chip_gen: v7x
topology: tpu7x:2x2x1
jax: 0.10.2.dev20260603
libtpu: 0.0.44.dev20260713+nightly
codegen_flags: <defaults>
</compile_context>

<pallas_src>
import functools

import jax
import jax.numpy as jnp
from jax import lax
from jax.experimental import pallas as pl
from jax.experimental.pallas import tpu as pltpu
from jax.experimental.pallas import tpu_sc as plsc

VOCAB = 512
CHAR_DIM = 64
DIM = 512
DS = 4
B = 4
L = 8192
P = L // DS
HR = DS * CHAR_DIM
SW = 512

NC = 2
NS = 16
NW = NC * NS
TOTAL = B * L
PER_W = TOTAL // NW
IDX_CHUNK = 128
N_STREAMS = PER_W // IDX_CHUNK

PCH = 512
NCH = P // PCH


def _sc_gather_body(idx_hbm, table_hbm, out_hbm, idx_v, rows_v, sem):
    wid = lax.axis_index("s") * NC + lax.axis_index("c")
    row0 = wid * N_STREAMS
    pltpu.sync_copy(idx_hbm.at[pl.ds(row0, N_STREAMS)], idx_v)
    cps = []
    for j in range(N_STREAMS):
        cps.append(
            pltpu.async_copy(
                table_hbm.at[idx_v.at[j]],
                rows_v.at[pl.ds(j * IDX_CHUNK, IDX_CHUNK)],
                sem,
            )
        )
    for cp in cps:
        cp.wait()
    pltpu.sync_copy(rows_v, out_hbm.at[pl.ds(wid * PER_W, PER_W)])


@functools.cache
def _sc_gather():
    return functools.partial(
        pl.kernel,
        out_type=jax.ShapeDtypeStruct((TOTAL, CHAR_DIM), jnp.bfloat16),
        mesh=plsc.VectorSubcoreMesh(
            core_axis_name="c", subcore_axis_name="s",
            num_cores=NC, num_subcores=NS),
        scratch_types=[
            pltpu.VMEM((N_STREAMS, IDX_CHUNK), jnp.int32),
            pltpu.VMEM((PER_W, CHAR_DIM), jnp.bfloat16),
            pltpu.SemaphoreType.DMA,
        ],
        compiler_params=pltpu.CompilerParams(use_tc_tiling_on_sc=False),
    )(_sc_gather_body)


def _tc_body(g_ref, pos_ref, mask4_ref, mask4p_ref, maskt_ref, w_ref, b_ref,
             out_ref, pm_ref, hs_ref):
    c = pl.program_id(1)

    @pl.when(c == 0)
    def _phase1():
        zrow = jnp.zeros((1, SW), jnp.bfloat16)
        hs_ref[16:17, :] = zrow
        hs_ref[16 + P - 1:16 + P, :] = zrow
        for cc in range(NCH):
            off = cc * PCH
            v = g_ref[0, off:off + PCH, :] + pos_ref[off:off + PCH, :]
            m4 = mask4_ref[0, off:off + PCH, :].astype(jnp.bfloat16)
            v = jnp.concatenate(
                [v[:, 64 * k:64 * k + 64] * m4[:, k:k + 1]
                 for k in range(DS)],
                axis=1)
            hs_ref[16 + off:16 + off + PCH, 128:384] = v
            hs_ref[17 + off:17 + off + PCH, 64:128] = v[:, HR - 64:HR]
            hs_ref[15 + off:15 + off + PCH, 384:512] = v[:, 0:128]

    row0 = pl.multiple_of(16 + c * PCH, 16)
    st = hs_ref[pl.ds(row0, PCH), :]
    w = w_ref[...]
    mm = [
        jnp.dot(st[:, 64 + 64 * j:64 + 64 * j + HR], w,
                preferred_element_type=jnp.float32)
        for j in range(DS)
    ]
    pr = jnp.maximum(jnp.maximum(mm[0], mm[1]),
                     jnp.maximum(mm[2], mm[3]))
    pm = mask4p_ref[0, :, :].max(axis=1)
    out_ref[0, :, :] = jax.nn.gelu(pr + b_ref[0, :]) * pm[:, None]
    pm_ref[0, 0, :] = maskt_ref[0, :, :].max(axis=0)


def _tc_conv(g3r, pos_r, mask4, maskt, wf, bf):
    return pl.pallas_call(
        _tc_body,
        grid=(B, NCH),
        in_specs=[
            pl.BlockSpec((1, P, HR), lambda b, c: (b, 0, 0)),
            pl.BlockSpec((P, HR), lambda b, c: (0, 0)),
            pl.BlockSpec((1, P, DS), lambda b, c: (b, 0, 0)),
            pl.BlockSpec((1, PCH, DS), lambda b, c: (b, c, 0)),
            pl.BlockSpec((1, DS, PCH), lambda b, c: (b, 0, c)),
            pl.BlockSpec((HR, DIM), lambda b, c: (0, 0)),
            pl.BlockSpec((1, DIM), lambda b, c: (0, 0)),
        ],
        out_specs=[
            pl.BlockSpec((1, PCH, DIM), lambda b, c: (b, c, 0)),
            pl.BlockSpec((1, 1, PCH), lambda b, c: (b, 0, c)),
        ],
        out_shape=[
            jax.ShapeDtypeStruct((B, P, DIM), jnp.float32),
            jax.ShapeDtypeStruct((B, 1, P), jnp.float32),
        ],
        scratch_shapes=[pltpu.VMEM((P + 32, SW), jnp.bfloat16)],
    )(g3r, pos_r, mask4, mask4, maskt, wf, bf)


def kernel(x, mask, emb, pos, conv_w, conv_b):
    idx2 = x.reshape(TOTAL // IDX_CHUNK, IDX_CHUNK)
    g = _sc_gather()(idx2, emb.astype(jnp.bfloat16))
    g3r = g.reshape(B, P, HR)
    pos_r = pos.reshape(pos.shape[1], CHAR_DIM)[:L].reshape(P, HR)
    pos_r = pos_r.astype(jnp.bfloat16)
    mask4 = mask.reshape(B, P, DS)
    maskt = mask4.transpose(0, 2, 1)
    wf = conv_w.reshape(DS * CHAR_DIM, DIM).astype(jnp.bfloat16)
    bf = conv_b.reshape(1, DIM)
    out, pm = _tc_conv(g3r, pos_r, mask4, maskt, wf, bf)
    return out, pm.reshape(B, P)

# --- scband reference (transcript-rebuilt; emitter-appended) ---
"""Pipeline reference for scband-char-embedder-79121887526916 (READ-ONLY COPY).

The authoritative reference and input builder live on the scoring server;
editing this copy changes nothing except your own understanding.
"""

import jax, jax.numpy as jnp
import numpy as np

VOCAB = 512
CHAR_DIM = 64
DIM = 512
DS = 4
B = 4
L = 8192
MAX_POS = 8192


def setup_inputs(seed: int = 0) -> dict:
    key = jax.random.key(seed)
    ks = jax.random.split(key, 6)
    x = jax.random.randint(ks[0], (B, L), 0, VOCAB, dtype=jnp.int32)
    mask = jnp.ones((B, L), dtype=jnp.float32)
    emb = jax.random.normal(ks[1], (VOCAB, CHAR_DIM), dtype=jnp.float32) * 0.02
    pos = jax.random.normal(ks[2], (1, MAX_POS, CHAR_DIM), dtype=jnp.float32) * 0.02
    conv_w = jax.random.normal(ks[3], (DS, CHAR_DIM, DIM), dtype=jnp.float32) * (1.0 / np.sqrt(CHAR_DIM * DS))
    conv_b = jnp.zeros((DIM,), dtype=jnp.float32)
    return {"x": x, "mask": mask, "emb": emb, "pos": pos, "conv_w": conv_w, "conv_b": conv_b}


def reference(x, mask, emb, pos, conv_w, conv_b):
    # emb lookup + positional embedding (dropout = identity in eval mode)
    h = jnp.take(emb, x, axis=0) + pos[:, : x.shape[1]]
    # CharToPseudoWord (Lee et al. style): mask, conv1d(kernel=ds), GELU, max-pool window ds
    h = h * mask[..., None]
    h = jax.lax.conv_general_dilated(
        h, conv_w, window_strides=(1,), padding="SAME",
        dimension_numbers=("NWC", "WIO", "NWC"))
    h = h + conv_b
    h = jax.nn.gelu(h)
    b, l, d = h.shape
    pooled = h.reshape(b, l // DS, DS, d).max(axis=2)
    pooled_mask = mask.reshape(b, l // DS, DS).max(axis=2)
    out = pooled * pooled_mask[..., None]
    return out, pooled_mask

if __name__ == "__main__":
    import jax
    _d = setup_inputs()
    print(jax.jit(kernel)(*tuple(_d.values())))

</pallas_src>

<mosaic_0001>
#map = affine_map<(d0, d1) -> (0, 0)>
module attributes {stable_mosaic.version = 14 : i64} {
  func.func @_sc_gather_body(%arg0: i32, %arg1: i32, %arg2: memref<256x128xi32, #tpu.memory_space<hbm>>, %arg3: memref<512x64xbf16, #tpu.memory_space<hbm>>, %arg4: memref<32768x64xbf16, #tpu.memory_space<hbm>>, %arg5: memref<8x128xi32, #tpu.memory_space<vmem>>, %arg6: memref<1024x64xbf16, #tpu.memory_space<vmem>>, %arg7: memref<!tpu.dma_semaphore, #tpu.memory_space<semaphore_mem>>) attributes {dimension_semantics = [#tpu.dimension_semantics<core_parallel>, #tpu.dimension_semantics<subcore_parallel>], iteration_bounds = array<i64: 2, 16>, scalar_prefetch = 0 : i64, scratch_operands = 3 : i64, tpu.core_type = #tpu.core_type<sc_vector_subcore>, window_params = [{transform_indices = #map}, {transform_indices = #map}, {transform_indices = #map}]} {
    %mul3A = arith.constant 2 : i32
    %mul3A_0 = arith.muli %arg1, %mul3A : i32
    %add3A = arith.addi %mul3A_0, %arg0 : i32
    %mul3A_1 = arith.constant 8 : i32
    %mul3A_2 = arith.muli %add3A, %mul3A_1 : i32
    "tpu.region"() ({
      %run_scoped3A = tpu.sem_alloc : memref<!tpu.dma_semaphore, #tpu.memory_space<semaphore_mem>>
      %dma_start3A_163 = arith.constant 0 : i32
      %dma_start3A_164 = tpu.memref_slice %arg2[%mul3A_2, %dma_start3A_163] : memref<256x128xi32, #tpu.memory_space<hbm>> -> memref<8x128xi32, #tpu.memory_space<hbm>>
      %dma_start3A_165 = arith.constant 0 : i32
      %dma_start3A_166 = tpu.memref_slice %arg2[%mul3A_2, %dma_start3A_165] : memref<256x128xi32, #tpu.memory_space<hbm>> -> memref<8x128xi32, #tpu.memory_space<hbm>>
      tpu.enqueue_dma source(%dma_start3A_166 : memref<8x128xi32, #tpu.memory_space<hbm>>) target(%arg5 : memref<8x128xi32, #tpu.memory_space<vmem>>) target_semaphore(%run_scoped3A : memref<!tpu.dma_semaphore, #tpu.memory_space<semaphore_mem>>)
      %dma_wait3A_167 = arith.constant 0 : i32
      %dma_wait3A_168 = tpu.memref_slice %arg2[%mul3A_2, %dma_wait3A_167] : memref<256x128xi32, #tpu.memory_space<hbm>> -> memref<8x128xi32, #tpu.memory_space<hbm>>
      %dma_wait3A_169 = arith.constant 0 : i32
      %dma_wait3A_170 = tpu.memref_slice %arg2[%mul3A_2, %dma_wait3A_169] : memref<256x128xi32, #tpu.memory_space<hbm>> -> memref<8x128xi32, #tpu.memory_space<hbm>>
      tpu.wait_dma2 semaphore(%run_scoped3A : memref<!tpu.dma_semaphore, #tpu.memory_space<semaphore_mem>>) src(%dma_wait3A_170 : memref<8x128xi32, #tpu.memory_space<hbm>>) dst(%arg5 : memref<8x128xi32, #tpu.memory_space<vmem>>)
      tpu.yield
    }) : () -> ()
    %dma_start3A = arith.constant 0 : i32
    %dma_start3A_3 = arith.constant 0 : i32
    %dma_start3A_4 = arith.constant 0 : i32
    %dma_start3A_5 = tpu.memref_slice %arg6[%dma_start3A_3, %dma_start3A_4] : memref<1024x64xbf16, #tpu.memory_space<vmem>> -> memref<128x64xbf16, #tpu.memory_space<vmem>>
    %dma_start3A_6 = arith.constant 0 : i32
    %dma_start3A_7 = tpu.memref_slice %arg5[%dma_start3A, %dma_start3A_6] : memref<8x128xi32, #tpu.memory_space<vmem>> -> memref<1x128xi32, #tpu.memory_space<vmem>>
    %dma_start3A_8 = tpu.memref_squeeze %dma_start3A_7 : memref<1x128xi32, #tpu.memory_space<vmem>> -> memref<128xi32, #tpu.memory_space<vmem>>
    %dma_start3A_9 = arith.constant 0 : i32
    %dma_start3A_10 = arith.constant 0 : i32
    %dma_start3A_11 = tpu.memref_slice %arg3[%dma_start3A_9, %dma_start3A_10] : memref<512x64xbf16, #tpu.memory_space<hbm>> -> memref<512x64xbf16, #tpu.memory_space<hbm>>
    tpu.enqueue_indirect_dma source(%dma_start3A_11 : memref<512x64xbf16, #tpu.memory_space<hbm>>) target(%dma_start3A_5 : memref<128x64xbf16, #tpu.memory_space<vmem>>) offsets(%dma_start3A_8 : memref<128xi32, #tpu.memory_space<vmem>>) semaphore(%arg7 : memref<!tpu.dma_semaphore, #tpu.memory_space<semaphore_mem>>)
    %dma_start3A_12 = arith.constant 1 : i32
    %dma_start3A_13 = arith.constant 128 : i32
    %dma_start3A_14 = arith.constant 0 : i32
    %dma_start3A_15 = tpu.memref_slice %arg6[%dma_start3A_13, %dma_start3A_14] : memref<1024x64xbf16, #tpu.memory_space<vmem>> -> memref<128x64xbf16, #tpu.memory_space<vmem>>
    %dma_start3A_16 = arith.constant 0 : i32
    %dma_start3A_17 = tpu.memref_slice %arg5[%dma_start3A_12, %dma_start3A_16] : memref<8x128xi32, #tpu.memory_space<vmem>> -> memref<1x128xi32, #tpu.memory_space<vmem>>
    %dma_start3A_18 = tpu.memref_squeeze %dma_start3A_17 : memref<1x128xi32, #tpu.memory_space<vmem>> -> memref<128xi32, #tpu.memory_space<vmem>>
    %dma_start3A_19 = arith.constant 0 : i32
    %dma_start3A_20 = arith.constant 0 : i32
    %dma_start3A_21 = tpu.memref_slice %arg3[%dma_start3A_19, %dma_start3A_20] : memref<512x64xbf16, #tpu.memory_space<hbm>> -> memref<512x64xbf16, #tpu.memory_space<hbm>>
    tpu.enqueue_indirect_dma source(%dma_start3A_21 : memref<512x64xbf16, #tpu.memory_space<hbm>>) target(%dma_start3A_15 : memref<128x64xbf16, #tpu.memory_space<vmem>>) offsets(%dma_start3A_18 : memref<128xi32, #tpu.memory_space<vmem>>) semaphore(%arg7 : memref<!tpu.dma_semaphore, #tpu.memory_space<semaphore_mem>>)
    %dma_start3A_22 = arith.constant 2 : i32
    %dma_start3A_23 = arith.constant 256 : i32
    %dma_start3A_24 = arith.constant 0 : i32
    %dma_start3A_25 = tpu.memref_slice %arg6[%dma_start3A_23, %dma_start3A_24] : memref<1024x64xbf16, #tpu.memory_space<vmem>> -> memref<128x64xbf16, #tpu.memory_space<vmem>>
    %dma_start3A_26 = arith.constant 0 : i32
    %dma_start3A_27 = tpu.memref_slice %arg5[%dma_start3A_22, %dma_start3A_26] : memref<8x128xi32, #tpu.memory_space<vmem>> -> memref<1x128xi32, #tpu.memory_space<vmem>>
    %dma_start3A_28 = tpu.memref_squeeze %dma_start3A_27 : memref<1x128xi32, #tpu.memory_space<vmem>> -> memref<128xi32, #tpu.memory_space<vmem>>
    %dma_start3A_29 = arith.constant 0 : i32
    %dma_start3A_30 = arith.constant 0 : i32
    %dma_start3A_31 = tpu.memref_slice %arg3[%dma_start3A_29, %dma_start3A_30] : memref<512x64xbf16, #tpu.memory_space<hbm>> -> memref<512x64xbf16, #tpu.memory_space<hbm>>
    tpu.enqueue_indirect_dma source(%dma_start3A_31 : memref<512x64xbf16, #tpu.memory_space<hbm>>) target(%dma_start3A_25 : memref<128x64xbf16, #tpu.memory_space<vmem>>) offsets(%dma_start3A_28 : memref<128xi32, #tpu.memory_space<vmem>>) semaphore(%arg7 : memref<!tpu.dma_semaphore, #tpu.memory_space<semaphore_mem>>)
    %dma_start3A_32 = arith.constant 3 : i32
    %dma_start3A_33 = arith.constant 384 : i32
    %dma_start3A_34 = arith.constant 0 : i32
    %dma_start3A_35 = tpu.memref_slice %arg6[%dma_start3A_33, %dma_start3A_34] : memref<1024x64xbf16, #tpu.memory_space<vmem>> -> memref<128x64xbf16, #tpu.memory_space<vmem>>
    %dma_start3A_36 = arith.constant 0 : i32
    %dma_start3A_37 = tpu.memref_slice %arg5[%dma_start3A_32, %dma_start3A_36] : memref<8x128xi32, #tpu.memory_space<vmem>> -> memref<1x128xi32, #tpu.memory_space<vmem>>
    %dma_start3A_38 = tpu.memref_squeeze %dma_start3A_37 : memref<1x128xi32, #tpu.memory_space<vmem>> -> memref<128xi32, #tpu.memory_space<vmem>>
    %dma_start3A_39 = arith.constant 0 : i32
    %dma_start3A_40 = arith.constant 0 : i32
    %dma_start3A_41 = tpu.memref_slice %arg3[%dma_start3A_39, %dma_start3A_40] : memref<512x64xbf16, #tpu.memory_space<hbm>> -> memref<512x64xbf16, #tpu.memory_space<hbm>>
    tpu.enqueue_indirect_dma source(%dma_start3A_41 : memref<512x64xbf16, #tpu.memory_space<hbm>>) target(%dma_start3A_35 : memref<128x64xbf16, #tpu.memory_space<vmem>>) offsets(%dma_start3A_38 : memref<128xi32, #tpu.memory_space<vmem>>) semaphore(%arg7 : memref<!tpu.dma_semaphore, #tpu.memory_space<semaphore_mem>>)
    %dma_start3A_42 = arith.constant 4 : i32
    %dma_start3A_43 = arith.constant 512 : i32
    %dma_start3A_44 = arith.constant 0 : i32
    %dma_start3A_45 = tpu.memref_slice %arg6[%dma_start3A_43, %dma_start3A_44] : memref<1024x64xbf16, #tpu.memory_space<vmem>> -> memref<128x64xbf16, #tpu.memory_space<vmem>>
    %dma_start3A_46 = arith.constant 0 : i32
    %dma_start3A_47 = tpu.memref_slice %arg5[%dma_start3A_42, %dma_start3A_46] : memref<8x128xi32, #tpu.memory_space<vmem>> -> memref<1x128xi32, #tpu.memory_space<vmem>>
    %dma_start3A_48 = tpu.memref_squeeze %dma_start3A_47 : memref<1x128xi32, #tpu.memory_space<vmem>> -> memref<128xi32, #tpu.memory_space<vmem>>
    %dma_start3A_49 = arith.constant 0 : i32
    %dma_start3A_50 = arith.constant 0 : i32
    %dma_start3A_51 = tpu.memref_slice %arg3[%dma_start3A_49, %dma_start3A_50] : memref<512x64xbf16, #tpu.memory_space<hbm>> -> memref<512x64xbf16, #tpu.memory_space<hbm>>
    tpu.enqueue_indirect_dma source(%dma_start3A_51 : memref<512x64xbf16, #tpu.memory_space<hbm>>) target(%dma_start3A_45 : memref<128x64xbf16, #tpu.memory_space<vmem>>) offsets(%dma_start3A_48 : memref<128xi32, #tpu.memory_space<vmem>>) semaphore(%arg7 : memref<!tpu.dma_semaphore, #tpu.memory_space<semaphore_mem>>)
    %dma_start3A_52 = arith.constant 5 : i32
    %dma_start3A_53 = arith.constant 640 : i32
    %dma_start3A_54 = arith.constant 0 : i32
    %dma_start3A_55 = tpu.memref_slice %arg6[%dma_start3A_53, %dma_start3A_54] : memref<1024x64xbf16, #tpu.memory_space<vmem>> -> memref<128x64xbf16, #tpu.memory_space<vmem>>
    %dma_start3A_56 = arith.constant 0 : i32
    %dma_start3A_57 = tpu.memref_slice %arg5[%dma_start3A_52, %dma_start3A_56] : memref<8x128xi32, #tpu.memory_space<vmem>> -> memref<1x128xi32, #tpu.memory_space<vmem>>
    %dma_start3A_58 = tpu.memref_squeeze %dma_start3A_57 : memref<1x128xi32, #tpu.memory_space<vmem>> -> memref<128xi32, #tpu.memory_space<vmem>>
    %dma_start3A_59 = arith.constant 0 : i32
    %dma_start3A_60 = arith.constant 0 : i32
    %dma_start3A_61 = tpu.memref_slice %arg3[%dma_start3A_59, %dma_start3A_60] : memref<512x64xbf16, #tpu.memory_space<hbm>> -> memref<512x64xbf16, #tpu.memory_space<hbm>>
    tpu.enqueue_indirect_dma source(%dma_start3A_61 : memref<512x64xbf16, #tpu.memory_space<hbm>>) target(%dma_start3A_55 : memref<128x64xbf16, #tpu.memory_space<vmem>>) offsets(%dma_start3A_58 : memref<128xi32, #tpu.memory_space<vmem>>) semaphore(%arg7 : memref<!tpu.dma_semaphore, #tpu.memory_space<semaphore_mem>>)
    %dma_start3A_62 = arith.constant 6 : i32
    %dma_start3A_63 = arith.constant 768 : i32
    %dma_start3A_64 = arith.constant 0 : i32
    %dma_start3A_65 = tpu.memref_slice %arg6[%dma_start3A_63, %dma_start3A_64] : memref<1024x64xbf16, #tpu.memory_space<vmem>> -> memref<128x64xbf16, #tpu.memory_space<vmem>>
    %dma_start3A_66 = arith.constant 0 : i32
    %dma_start3A_67 = tpu.memref_slice %arg5[%dma_start3A_62, %dma_start3A_66] : memref<8x128xi32, #tpu.memory_space<vmem>> -> memref<1x128xi32, #tpu.memory_space<vmem>>
    %dma_start3A_68 = tpu.memref_squeeze %dma_start3A_67 : memref<1x128xi32, #tpu.memory_space<vmem>> -> memref<128xi32, #tpu.memory_space<vmem>>
    %dma_start3A_69 = arith.constant 0 : i32
    %dma_start3A_70 = arith.constant 0 : i32
    %dma_start3A_71 = tpu.memref_slice %arg3[%dma_start3A_69, %dma_start3A_70] : memref<512x64xbf16, #tpu.memory_space<hbm>> -> memref<512x64xbf16, #tpu.memory_space<hbm>>
    tpu.enqueue_indirect_dma source(%dma_start3A_71 : memref<512x64xbf16, #tpu.memory_space<hbm>>) target(%dma_start3A_65 : memref<128x64xbf16, #tpu.memory_space<vmem>>) offsets(%dma_start3A_68 : memref<128xi32, #tpu.memory_space<vmem>>) semaphore(%arg7 : memref<!tpu.dma_semaphore, #tpu.memory_space<semaphore_mem>>)
    %dma_start3A_72 = arith.constant 7 : i32
    %dma_start3A_73 = arith.constant 896 : i32
    %dma_start3A_74 = arith.constant 0 : i32
    %dma_start3A_75 = tpu.memref_slice %arg6[%dma_start3A_73, %dma_start3A_74] : memref<1024x64xbf16, #tpu.memory_space<vmem>> -> memref<128x64xbf16, #tpu.memory_space<vmem>>
    %dma_start3A_76 = arith.constant 0 : i32
    %dma_start3A_77 = tpu.memref_slice %arg5[%dma_start3A_72, %dma_start3A_76] : memref<8x128xi32, #tpu.memory_space<vmem>> -> memref<1x128xi32, #tpu.memory_space<vmem>>
    %dma_start3A_78 = tpu.memref_squeeze %dma_start3A_77 : memref<1x128xi32, #tpu.memory_space<vmem>> -> memref<128xi32, #tpu.memory_space<vmem>>
    %dma_start3A_79 = arith.constant 0 : i32
    %dma_start3A_80 = arith.constant 0 : i32
    %dma_start3A_81 = tpu.memref_slice %arg3[%dma_start3A_79, %dma_start3A_80] : memref<512x64xbf16, #tpu.memory_space<hbm>> -> memref<512x64xbf16, #tpu.memory_space<hbm>>
    tpu.enqueue_indirect_dma source(%dma_start3A_81 : memref<512x64xbf16, #tpu.memory_space<hbm>>) target(%dma_start3A_75 : memref<128x64xbf16, #tpu.memory_space<vmem>>) offsets(%dma_start3A_78 : memref<128xi32, #tpu.memory_space<vmem>>) semaphore(%arg7 : memref<!tpu.dma_semaphore, #tpu.memory_space<semaphore_mem>>)
    %dma_wait3A = arith.constant 0 : i32
    %dma_wait3A_82 = arith.constant 0 : i32
    %dma_wait3A_83 = arith.constant 0 : i32
    %dma_wait3A_84 = tpu.memref_slice %arg6[%dma_wait3A_82, %dma_wait3A_83] : memref<1024x64xbf16, #tpu.memory_space<vmem>> -> memref<128x64xbf16, #tpu.memory_space<vmem>>
    %dma_wait3A_85 = arith.constant 0 : i32
    %dma_wait3A_86 = tpu.memref_slice %arg5[%dma_wait3A, %dma_wait3A_85] : memref<8x128xi32, #tpu.memory_space<vmem>> -> memref<1x128xi32, #tpu.memory_space<vmem>>
    %dma_wait3A_87 = tpu.memref_squeeze %dma_wait3A_86 : memref<1x128xi32, #tpu.memory_space<vmem>> -> memref<128xi32, #tpu.memory_space<vmem>>
    %dma_wait3A_88 = arith.constant 0 : i32
    %dma_wait3A_89 = arith.constant 0 : i32
    %dma_wait3A_90 = tpu.memref_slice %arg3[%dma_wait3A_88, %dma_wait3A_89] : memref<512x64xbf16, #tpu.memory_space<hbm>> -> memref<512x64xbf16, #tpu.memory_space<hbm>>
    tpu.wait_indirect_dma semaphore(%arg7 : memref<!tpu.dma_semaphore, #tpu.memory_space<semaphore_mem>>) src(%dma_wait3A_90 : memref<512x64xbf16, #tpu.memory_space<hbm>>) dst(%dma_wait3A_84 : memref<128x64xbf16, #tpu.memory_space<vmem>>)
    %dma_wait3A_91 = arith.constant 1 : i32
    %dma_wait3A_92 = arith.constant 128 : i32
    %dma_wait3A_93 = arith.constant 0 : i32
    %dma_wait3A_94 = tpu.memref_slice %arg6[%dma_wait3A_92, %dma_wait3A_93] : memref<1024x64xbf16, #tpu.memory_space<vmem>> -> memref<128x64xbf16, #tpu.memory_space<vmem>>
    %dma_wait3A_95 = arith.constant 0 : i32
    %dma_wait3A_96 = tpu.memref_slice %arg5[%dma_wait3A_91, %dma_wait3A_95] : memref<8x128xi32, #tpu.memory_space<vmem>> -> memref<1x128xi32, #tpu.memory_space<vmem>>
    %dma_wait3A_97 = tpu.memref_squeeze %dma_wait3A_96 : memref<1x128xi32, #tpu.memory_space<vmem>> -> memref<128xi32, #tpu.memory_space<vmem>>
    %dma_wait3A_98 = arith.constant 0 : i32
    %dma_wait3A_99 = arith.constant 0 : i32
    %dma_wait3A_100 = tpu.memref_slice %arg3[%dma_wait3A_98, %dma_wait3A_99] : memref<512x64xbf16, #tpu.memory_space<hbm>> -> memref<512x64xbf16, #tpu.memory_space<hbm>>
    tpu.wait_indirect_dma semaphore(%arg7 : memref<!tpu.dma_semaphore, #tpu.memory_space<semaphore_mem>>) src(%dma_wait3A_100 : memref<512x64xbf16, #tpu.memory_space<hbm>>) dst(%dma_wait3A_94 : memref<128x64xbf16, #tpu.memory_space<vmem>>)
    %dma_wait3A_101 = arith.constant 2 : i32
    %dma_wait3A_102 = arith.constant 256 : i32
    %dma_wait3A_103 = arith.constant 0 : i32
    %dma_wait3A_104 = tpu.memref_slice %arg6[%dma_wait3A_102, %dma_wait3A_103] : memref<1024x64xbf16, #tpu.memory_space<vmem>> -> memref<128x64xbf16, #tpu.memory_space<vmem>>
    %dma_wait3A_105 = arith.constant 0 : i32
    %dma_wait3A_106 = tpu.memref_slice %arg5[%dma_wait3A_101, %dma_wait3A_105] : memref<8x128xi32, #tpu.memory_space<vmem>> -> memref<1x128xi32, #tpu.memory_space<vmem>>
    %dma_wait3A_107 = tpu.memref_squeeze %dma_wait3A_106 : memref<1x128xi32, #tpu.memory_space<vmem>> -> memref<128xi32, #tpu.memory_space<vmem>>
    %dma_wait3A_108 = arith.constant 0 : i32
    %dma_wait3A_109 = arith.constant 0 : i32
    %dma_wait3A_110 = tpu.memref_slice %arg3[%dma_wait3A_108, %dma_wait3A_109] : memref<512x64xbf16, #tpu.memory_space<hbm>> -> memref<512x64xbf16, #tpu.memory_space<hbm>>
    tpu.wait_indirect_dma semaphore(%arg7 : memref<!tpu.dma_semaphore, #tpu.memory_space<semaphore_mem>>) src(%dma_wait3A_110 : memref<512x64xbf16, #tpu.memory_space<hbm>>) dst(%dma_wait3A_104 : memref<128x64xbf16, #tpu.memory_space<vmem>>)
    %dma_wait3A_111 = arith.constant 3 : i32
    %dma_wait3A_112 = arith.constant 384 : i32
    %dma_wait3A_113 = arith.constant 0 : i32
    %dma_wait3A_114 = tpu.memref_slice %arg6[%dma_wait3A_112, %dma_wait3A_113] : memref<1024x64xbf16, #tpu.memory_space<vmem>> -> memref<128x64xbf16, #tpu.memory_space<vmem>>
    %dma_wait3A_115 = arith.constant 0 : i32
    %dma_wait3A_116 = tpu.memref_slice %arg5[%dma_wait3A_111, %dma_wait3A_115] : memref<8x128xi32, #tpu.memory_space<vmem>> -> memref<1x128xi32, #tpu.memory_space<vmem>>
    %dma_wait3A_117 = tpu.memref_squeeze %dma_wait3A_116 : memref<1x128xi32, #tpu.memory_space<vmem>> -> memref<128xi32, #tpu.memory_space<vmem>>
    %dma_wait3A_118 = arith.constant 0 : i32
    %dma_wait3A_119 = arith.constant 0 : i32
    %dma_wait3A_120 = tpu.memref_slice %arg3[%dma_wait3A_118, %dma_wait3A_119] : memref<512x64xbf16, #tpu.memory_space<hbm>> -> memref<512x64xbf16, #tpu.memory_space<hbm>>
    tpu.wait_indirect_dma semaphore(%arg7 : memref<!tpu.dma_semaphore, #tpu.memory_space<semaphore_mem>>) src(%dma_wait3A_120 : memref<512x64xbf16, #tpu.memory_space<hbm>>) dst(%dma_wait3A_114 : memref<128x64xbf16, #tpu.memory_space<vmem>>)
    %dma_wait3A_121 = arith.constant 4 : i32
    %dma_wait3A_122 = arith.constant 512 : i32
    %dma_wait3A_123 = arith.constant 0 : i32
    %dma_wait3A_124 = tpu.memref_slice %arg6[%dma_wait3A_122, %dma_wait3A_123] : memref<1024x64xbf16, #tpu.memory_space<vmem>> -> memref<128x64xbf16, #tpu.memory_space<vmem>>
    %dma_wait3A_125 = arith.constant 0 : i32
    %dma_wait3A_126 = tpu.memref_slice %arg5[%dma_wait3A_121, %dma_wait3A_125] : memref<8x128xi32, #tpu.memory_space<vmem>> -> memref<1x128xi32, #tpu.memory_space<vmem>>
    %dma_wait3A_127 = tpu.memref_squeeze %dma_wait3A_126 : memref<1x128xi32, #tpu.memory_space<vmem>> -> memref<128xi32, #tpu.memory_space<vmem>>
    %dma_wait3A_128 = arith.constant 0 : i32
    %dma_wait3A_129 = arith.constant 0 : i32
    %dma_wait3A_130 = tpu.memref_slice %arg3[%dma_wait3A_128, %dma_wait3A_129] : memref<512x64xbf16, #tpu.memory_space<hbm>> -> memref<512x64xbf16, #tpu.memory_space<hbm>>
    tpu.wait_indirect_dma semaphore(%arg7 : memref<!tpu.dma_semaphore, #tpu.memory_space<semaphore_mem>>) src(%dma_wait3A_130 : memref<512x64xbf16, #tpu.memory_space<hbm>>) dst(%dma_wait3A_124 : memref<128x64xbf16, #tpu.memory_space<vmem>>)
    %dma_wait3A_131 = arith.constant 5 : i32
    %dma_wait3A_132 = arith.constant 640 : i32
    %dma_wait3A_133 = arith.constant 0 : i32
    %dma_wait3A_134 = tpu.memref_slice %arg6[%dma_wait3A_132, %dma_wait3A_133] : memref<1024x64xbf16, #tpu.memory_space<vmem>> -> memref<128x64xbf16, #tpu.memory_space<vmem>>
    %dma_wait3A_135 = arith.constant 0 : i32
    %dma_wait3A_136 = tpu.memref_slice %arg5[%dma_wait3A_131, %dma_wait3A_135] : memref<8x128xi32, #tpu.memory_space<vmem>> -> memref<1x128xi32, #tpu.memory_space<vmem>>
    %dma_wait3A_137 = tpu.memref_squeeze %dma_wait3A_136 : memref<1x128xi32, #tpu.memory_space<vmem>> -> memref<128xi32, #tpu.memory_space<vmem>>
    %dma_wait3A_138 = arith.constant 0 : i32
    %dma_wait3A_139 = arith.constant 0 : i32
    %dma_wait3A_140 = tpu.memref_slice %arg3[%dma_wait3A_138, %dma_wait3A_139] : memref<512x64xbf16, #tpu.memory_space<hbm>> -> memref<512x64xbf16, #tpu.memory_space<hbm>>
    tpu.wait_indirect_dma semaphore(%arg7 : memref<!tpu.dma_semaphore, #tpu.memory_space<semaphore_mem>>) src(%dma_wait3A_140 : memref<512x64xbf16, #tpu.memory_space<hbm>>) dst(%dma_wait3A_134 : memref<128x64xbf16, #tpu.memory_space<vmem>>)
    %dma_wait3A_141 = arith.constant 6 : i32
    %dma_wait3A_142 = arith.constant 768 : i32
    %dma_wait3A_143 = arith.constant 0 : i32
    %dma_wait3A_144 = tpu.memref_slice %arg6[%dma_wait3A_142, %dma_wait3A_143] : memref<1024x64xbf16, #tpu.memory_space<vmem>> -> memref<128x64xbf16, #tpu.memory_space<vmem>>
    %dma_wait3A_145 = arith.constant 0 : i32
    %dma_wait3A_146 = tpu.memref_slice %arg5[%dma_wait3A_141, %dma_wait3A_145] : memref<8x128xi32, #tpu.memory_space<vmem>> -> memref<1x128xi32, #tpu.memory_space<vmem>>
    %dma_wait3A_147 = tpu.memref_squeeze %dma_wait3A_146 : memref<1x128xi32, #tpu.memory_space<vmem>> -> memref<128xi32, #tpu.memory_space<vmem>>
    %dma_wait3A_148 = arith.constant 0 : i32
    %dma_wait3A_149 = arith.constant 0 : i32
    %dma_wait3A_150 = tpu.memref_slice %arg3[%dma_wait3A_148, %dma_wait3A_149] : memref<512x64xbf16, #tpu.memory_space<hbm>> -> memref<512x64xbf16, #tpu.memory_space<hbm>>
    tpu.wait_indirect_dma semaphore(%arg7 : memref<!tpu.dma_semaphore, #tpu.memory_space<semaphore_mem>>) src(%dma_wait3A_150 : memref<512x64xbf16, #tpu.memory_space<hbm>>) dst(%dma_wait3A_144 : memref<128x64xbf16, #tpu.memory_space<vmem>>)
    %dma_wait3A_151 = arith.constant 7 : i32
    %dma_wait3A_152 = arith.constant 896 : i32
    %dma_wait3A_153 = arith.constant 0 : i32
    %dma_wait3A_154 = tpu.memref_slice %arg6[%dma_wait3A_152, %dma_wait3A_153] : memref<1024x64xbf16, #tpu.memory_space<vmem>> -> memref<128x64xbf16, #tpu.memory_space<vmem>>
    %dma_wait3A_155 = arith.constant 0 : i32
    %dma_wait3A_156 = tpu.memref_slice %arg5[%dma_wait3A_151, %dma_wait3A_155] : memref<8x128xi32, #tpu.memory_space<vmem>> -> memref<1x128xi32, #tpu.memory_space<vmem>>
    %dma_wait3A_157 = tpu.memref_squeeze %dma_wait3A_156 : memref<1x128xi32, #tpu.memory_space<vmem>> -> memref<128xi32, #tpu.memory_space<vmem>>
    %dma_wait3A_158 = arith.constant 0 : i32
    %dma_wait3A_159 = arith.constant 0 : i32
    %dma_wait3A_160 = tpu.memref_slice %arg3[%dma_wait3A_158, %dma_wait3A_159] : memref<512x64xbf16, #tpu.memory_space<hbm>> -> memref<512x64xbf16, #tpu.memory_space<hbm>>
    tpu.wait_indirect_dma semaphore(%arg7 : memref<!tpu.dma_semaphore, #tpu.memory_space<semaphore_mem>>) src(%dma_wait3A_160 : memref<512x64xbf16, #tpu.memory_space<hbm>>) dst(%dma_wait3A_154 : memref<128x64xbf16, #tpu.memory_space<vmem>>)
    %mul3A_161 = arith.constant 1024 : i32
    %mul3A_162 = arith.muli %add3A, %mul3A_161 : i32
    "tpu.region"() ({
      %run_scoped3A = tpu.sem_alloc : memref<!tpu.dma_semaphore, #tpu.memory_space<semaphore_mem>>
      %dma_start3A_163 = arith.constant 0 : i32
      %dma_start3A_164 = tpu.memref_slice %arg4[%mul3A_162, %dma_start3A_163] : memref<32768x64xbf16, #tpu.memory_space<hbm>> -> memref<1024x64xbf16, #tpu.memory_space<hbm>>
      %dma_start3A_165 = arith.constant 0 : i32
      %dma_start3A_166 = tpu.memref_slice %arg4[%mul3A_162, %dma_start3A_165] : memref<32768x64xbf16, #tpu.memory_space<hbm>> -> memref<1024x64xbf16, #tpu.memory_space<hbm>>
      tpu.enqueue_dma source(%arg6 : memref<1024x64xbf16, #tpu.memory_space<vmem>>) target(%dma_start3A_166 : memref<1024x64xbf16, #tpu.memory_space<hbm>>) target_semaphore(%run_scoped3A : memref<!tpu.dma_semaphore, #tpu.memory_space<semaphore_mem>>)
      %dma_wait3A_167 = arith.constant 0 : i32
      %dma_wait3A_168 = tpu.memref_slice %arg4[%mul3A_162, %dma_wait3A_167] : memref<32768x64xbf16, #tpu.memory_space<hbm>> -> memref<1024x64xbf16, #tpu.memory_space<hbm>>
      %dma_wait3A_169 = arith.constant 0 : i32
      %dma_wait3A_170 = tpu.memref_slice %arg4[%mul3A_162, %dma_wait3A_169] : memref<32768x64xbf16, #tpu.memory_space<hbm>> -> memref<1024x64xbf16, #tpu.memory_space<hbm>>
      tpu.wait_dma2 semaphore(%run_scoped3A : memref<!tpu.dma_semaphore, #tpu.memory_space<semaphore_mem>>) src(%arg6 : memref<1024x64xbf16, #tpu.memory_space<vmem>>) dst(%dma_wait3A_170 : memref<1024x64xbf16, #tpu.memory_space<hbm>>)
      tpu.yield
    }) : () -> ()
    return
  }
}

module attributes {stable_mosaic.version = 14 : i64} {
  func.func @_tc_body(%arg0: i32, %arg1: i32, %arg2: memref<1x2048x256xbf16, #tpu.memory_space<vmem>>, %arg3: memref<2048x256xbf16, #tpu.memory_space<vmem>>, %arg4: memref<1x2048x4xf32, #tpu.memory_space<vmem>>, %arg5: memref<1x512x4xf32, #tpu.memory_space<vmem>>, %arg6: memref<1x4x512xf32, #tpu.memory_space<vmem>>, %arg7: memref<256x512xbf16, #tpu.memory_space<vmem>>, %arg8: memref<1x512xf32, #tpu.memory_space<vmem>>, %arg9: memref<1x512x512xf32, #tpu.memory_space<vmem>>, %arg10: memref<1x1x512xf32, #tpu.memory_space<vmem>>, %arg11: memref<2080x512xbf16, #tpu.memory_space<vmem>>) attributes {dimension_semantics = [#tpu.dimension_semantics<arbitrary>, #tpu.dimension_semantics<arbitrary>], iteration_bounds = array<i64: 4, 4>, scalar_prefetch = 0 : i64, scratch_operands = 1 : i64, tpu.core_type = #tpu.core_type<tc>, window_params = [{transform_indices = @transform_0, window_bounds = array<i64: 1, 2048, 256>}, {pipeline_mode = #tpu.pipeline_mode<synchronous>, transform_indices = @transform_1, window_bounds = array<i64: 2048, 256>}, {transform_indices = @transform_2, window_bounds = array<i64: 1, 2048, 4>}, {transform_indices = @transform_3, window_bounds = array<i64: 1, 512, 4>}, {transform_indices = @transform_4, window_bounds = array<i64: 1, 4, 512>}, {pipeline_mode = #tpu.pipeline_mode<synchronous>, transform_indices = @transform_5, window_bounds = array<i64: 256, 512>}, {pipeline_mode = #tpu.pipeline_mode<synchronous>, transform_indices = @transform_6, window_bounds = array<i64: 1, 512>}, {transform_indices = @transform_7, window_bounds = array<i64: 1, 512, 512>}, {transform_indices = @transform_8, window_bounds = array<i64: 1, 1, 512>}]} {
    %eq3A = arith.constant 0 : i32
    %eq3A_0 = arith.cmpi eq, %arg1, %eq3A : i32
    %convert_element_type3A = arith.extui %eq3A_0 : i1 to i32
    %cond3A = arith.constant 0 : i32
    %cond3A_1 = arith.cmpi ne, %convert_element_type3A, %cond3A : i32
    scf.if %cond3A_1 {
      %broadcast_in_dim3A_69 = arith.constant 0.000000e+00 : bf16
      %broadcast_in_dim3A_70 = vector.broadcast %broadcast_in_dim3A_69 : bf16 to vector<1x512xbf16>
      %swap3A_71 = arith.constant 16 : index
      %swap3A_72 = arith.constant 0 : index
      %swap3A_73 = vector.load %arg11[%swap3A_71, %swap3A_72] : memref<2080x512xbf16, #tpu.memory_space<vmem>>, vector<1x512xbf16>
      tpu.vector_store %arg11[%swap3A_71, %swap3A_72], %broadcast_in_dim3A_70 {strides = array<i32>} : memref<2080x512xbf16, #tpu.memory_space<vmem>>, vector<1x512xbf16>,
      %swap3A_74 = arith.constant 2063 : index
      %swap3A_75 = arith.constant 0 : index
      %swap3A_76 = vector.load %arg11[%swap3A_74, %swap3A_75] : memref<2080x512xbf16, #tpu.memory_space<vmem>>, vector<1x512xbf16>
      tpu.vector_store %arg11[%swap3A_74, %swap3A_75], %broadcast_in_dim3A_70 {strides = array<i32>} : memref<2080x512xbf16, #tpu.memory_space<vmem>>, vector<1x512xbf16>,
      %get3A_77 = arith.constant 0 : index
      %get3A_78 = arith.constant 0 : index
      %get3A_79 = arith.constant 0 : index
      %get3A_80 = vector.load %arg2[%get3A_77, %get3A_78, %get3A_79] : memref<1x2048x256xbf16, #tpu.memory_space<vmem>>, vector<1x512x256xbf16>
      %get3A_81 = vector.shape_cast %get3A_80 : vector<1x512x256xbf16> to vector<512x256xbf16>
      %get3A_82 = arith.constant 0 : index
      %get3A_83 = arith.constant 0 : index
      %get3A_84 = vector.load %arg3[%get3A_82, %get3A_83] : memref<2048x256xbf16, #tpu.memory_space<vmem>>, vector<512x256xbf16>
      %add3A_85 = arith.addf %get3A_81, %get3A_84 : vector<512x256xbf16>
      %get3A_86 = arith.constant 0 : index
      %get3A_87 = arith.constant 0 : index
      %get3A_88 = arith.constant 0 : index
      %get3A_89 = vector.load %arg4[%get3A_86, %get3A_87, %get3A_88] : memref<1x2048x4xf32, #tpu.memory_space<vmem>>, vector<1x512x4xf32>
      %get3A_90 = vector.shape_cast %get3A_89 : vector<1x512x4xf32> to vector<512x4xf32>
      %convert_element_type3A_91 = arith.truncf %get3A_90 : vector<512x4xf32> to vector<512x4xbf16>
      %slice3A_92 = vector.extract_strided_slice %add3A_85 {offsets = [0, 0], sizes = [512, 64], strides = [1, 1]} : vector<512x256xbf16> to vector<512x64xbf16>
      %slice3A_93 = vector.extract_strided_slice %convert_element_type3A_91 {offsets = [0, 0], sizes = [512, 1], strides = [1, 1]} : vector<512x4xbf16> to vector<512x1xbf16>
      %mul3A_94 = vector.broadcast %slice3A_93 : vector<512x1xbf16> to vector<512x64xbf16>
      %mul3A_95 = arith.mulf %slice3A_92, %mul3A_94 : vector<512x64xbf16>
      %slice3A_96 = vector.extract_strided_slice %add3A_85 {offsets = [0, 64], sizes = [512, 64], strides = [1, 1]} : vector<512x256xbf16> to vector<512x64xbf16>
      %slice3A_97 = vector.extract_strided_slice %convert_element_type3A_91 {offsets = [0, 1], sizes = [512, 1], strides = [1, 1]} : vector<512x4xbf16> to vector<512x1xbf16>
      %mul3A_98 = vector.broadcast %slice3A_97 : vector<512x1xbf16> to vector<512x64xbf16>
      %mul3A_99 = arith.mulf %slice3A_96, %mul3A_98 : vector<512x64xbf16>
      %slice3A_100 = vector.extract_strided_slice %add3A_85 {offsets = [0, 128], sizes = [512, 64], strides = [1, 1]} : vector<512x256xbf16> to vector<512x64xbf16>
      %slice3A_101 = vector.extract_strided_slice %convert_element_type3A_91 {offsets = [0, 2], sizes = [512, 1], strides = [1, 1]} : vector<512x4xbf16> to vector<512x1xbf16>
      %mul3A_102 = vector.broadcast %slice3A_101 : vector<512x1xbf16> to vector<512x64xbf16>
      %mul3A_103 = arith.mulf %slice3A_100, %mul3A_102 : vector<512x64xbf16>
      %slice3A_104 = vector.extract_strided_slice %add3A_85 {offsets = [0, 192], sizes = [512, 64], strides = [1, 1]} : vector<512x256xbf16> to vector<512x64xbf16>
      %slice3A_105 = vector.extract_strided_slice %convert_element_type3A_91 {offsets = [0, 3], sizes = [512, 1], strides = [1, 1]} : vector<512x4xbf16> to vector<512x1xbf16>
      %mul3A_106 = vector.broadcast %slice3A_105 : vector<512x1xbf16> to vector<512x64xbf16>
      %mul3A_107 = arith.mulf %slice3A_104, %mul3A_106 : vector<512x64xbf16>
      %concatenate3A = tpu.concatenate %mul3A_95, %mul3A_99, %mul3A_103, %mul3A_107 in 1 : vector<512x64xbf16>, vector<512x64xbf16>, vector<512x64xbf16>, vector<512x64xbf16> -> vector<512x256xbf16>
      %swap3A_108 = arith.constant 16 : index
      %swap3A_109 = arith.constant 128 : index
      %swap3A_110 = vector.load %arg11[%swap3A_108, %swap3A_109] : memref<2080x512xbf16, #tpu.memory_space<vmem>>, vector<512x256xbf16>
      tpu.vector_store %arg11[%swap3A_108, %swap3A_109], %concatenate3A {strides = array<i32>} : memref<2080x512xbf16, #tpu.memory_space<vmem>>, vector<512x256xbf16>,
      %slice3A_111 = vector.extract_strided_slice %concatenate3A {offsets = [0, 192], sizes = [512, 64], strides = [1, 1]} : vector<512x256xbf16> to vector<512x64xbf16>
      %swap3A_112 = arith.constant 17 : index
      %swap3A_113 = arith.constant 64 : index
      %swap3A_114 = vector.load %arg11[%swap3A_112, %swap3A_113] : memref<2080x512xbf16, #tpu.memory_space<vmem>>, vector<512x64xbf16>
      tpu.vector_store %arg11[%swap3A_112, %swap3A_113], %slice3A_111 {strides = array<i32>} : memref<2080x512xbf16, #tpu.memory_space<vmem>>, vector<512x64xbf16>,
      %slice3A_115 = vector.extract_strided_slice %concatenate3A {offsets = [0, 0], sizes = [512, 128], strides = [1, 1]} : vector<512x256xbf16> to vector<512x128xbf16>
      %swap3A_116 = arith.constant 15 : index
      %swap3A_117 = arith.constant 384 : index
      %swap3A_118 = vector.load %arg11[%swap3A_116, %swap3A_117] : memref<2080x512xbf16, #tpu.memory_space<vmem>>, vector<512x128xbf16>
      tpu.vector_store %arg11[%swap3A_116, %swap3A_117], %slice3A_115 {strides = array<i32>} : memref<2080x512xbf16, #tpu.memory_space<vmem>>, vector<512x128xbf16>,
      %get3A_119 = arith.constant 0 : index
      %get3A_120 = arith.constant 512 : index
      %get3A_121 = arith.constant 0 : index
      %get3A_122 = vector.load %arg2[%get3A_119, %get3A_120, %get3A_121] : memref<1x2048x256xbf16, #tpu.memory_space<vmem>>, vector<1x512x256xbf16>
      %get3A_123 = vector.shape_cast %get3A_122 : vector<1x512x256xbf16> to vector<512x256xbf16>
      %get3A_124 = arith.constant 512 : index
      %get3A_125 = arith.constant 0 : index
      %get3A_126 = vector.load %arg3[%get3A_124, %get3A_125] : memref<2048x256xbf16, #tpu.memory_space<vmem>>, vector<512x256xbf16>
      %add3A_127 = arith.addf %get3A_123, %get3A_126 : vector<512x256xbf16>
      %get3A_128 = arith.constant 0 : index
      %get3A_129 = arith.constant 512 : index
      %get3A_130 = arith.constant 0 : index
      %get3A_131 = vector.load %arg4[%get3A_128, %get3A_129, %get3A_130] : memref<1x2048x4xf32, #tpu.memory_space<vmem>>, vector<1x512x4xf32>
      %get3A_132 = vector.shape_cast %get3A_131 : vector<1x512x4xf32> to vector<512x4xf32>
      %convert_element_type3A_133 = arith.truncf %get3A_132 : vector<512x4xf32> to vector<512x4xbf16>
      %slice3A_134 = vector.extract_strided_slice %add3A_127 {offsets = [0, 0], sizes = [512, 64], strides = [1, 1]} : vector<512x256xbf16> to vector<512x64xbf16>
      %slice3A_135 = vector.extract_strided_slice %convert_element_type3A_133 {offsets = [0, 0], sizes = [512, 1], strides = [1, 1]} : vector<512x4xbf16> to vector<512x1xbf16>
      %mul3A_136 = vector.broadcast %slice3A_135 : vector<512x1xbf16> to vector<512x64xbf16>
      %mul3A_137 = arith.mulf %slice3A_134, %mul3A_136 : vector<512x64xbf16>
      %slice3A_138 = vector.extract_strided_slice %add3A_127 {offsets = [0, 64], sizes = [512, 64], strides = [1, 1]} : vector<512x256xbf16> to vector<512x64xbf16>
      %slice3A_139 = vector.extract_strided_slice %convert_element_type3A_133 {offsets = [0, 1], sizes = [512, 1], strides = [1, 1]} : vector<512x4xbf16> to vector<512x1xbf16>
      %mul3A_140 = vector.broadcast %slice3A_139 : vector<512x1xbf16> to vector<512x64xbf16>
      %mul3A_141 = arith.mulf %slice3A_138, %mul3A_140 : vector<512x64xbf16>
      %slice3A_142 = vector.extract_strided_slice %add3A_127 {offsets = [0, 128], sizes = [512, 64], strides = [1, 1]} : vector<512x256xbf16> to vector<512x64xbf16>
      %slice3A_143 = vector.extract_strided_slice %convert_element_type3A_133 {offsets = [0, 2], sizes = [512, 1], strides = [1, 1]} : vector<512x4xbf16> to vector<512x1xbf16>
      %mul3A_144 = vector.broadcast %slice3A_143 : vector<512x1xbf16> to vector<512x64xbf16>
      %mul3A_145 = arith.mulf %slice3A_142, %mul3A_144 : vector<512x64xbf16>
      %slice3A_146 = vector.extract_strided_slice %add3A_127 {offsets = [0, 192], sizes = [512, 64], strides = [1, 1]} : vector<512x256xbf16> to vector<512x64xbf16>
      %slice3A_147 = vector.extract_strided_slice %convert_element_type3A_133 {offsets = [0, 3], sizes = [512, 1], strides = [1, 1]} : vector<512x4xbf16> to vector<512x1xbf16>
      %mul3A_148 = vector.broadcast %slice3A_147 : vector<512x1xbf16> to vector<512x64xbf16>
      %mul3A_149 = arith.mulf %slice3A_146, %mul3A_148 : vector<512x64xbf16>
      %concatenate3A_150 = tpu.concatenate %mul3A_137, %mul3A_141, %mul3A_145, %mul3A_149 in 1 : vector<512x64xbf16>, vector<512x64xbf16>, vector<512x64xbf16>, vector<512x64xbf16> -> vector<512x256xbf16>
      %swap3A_151 = arith.constant 528 : index
      %swap3A_152 = arith.constant 128 : index
      %swap3A_153 = vector.load %arg11[%swap3A_151, %swap3A_152] : memref<2080x512xbf16, #tpu.memory_space<vmem>>, vector<512x256xbf16>
      tpu.vector_store %arg11[%swap3A_151, %swap3A_152], %concatenate3A_150 {strides = array<i32>} : memref<2080x512xbf16, #tpu.memory_space<vmem>>, vector<512x256xbf16>,
      %slice3A_154 = vector.extract_strided_slice %concatenate3A_150 {offsets = [0, 192], sizes = [512, 64], strides = [1, 1]} : vector<512x256xbf16> to vector<512x64xbf16>
      %swap3A_155 = arith.constant 529 : index
      %swap3A_156 = arith.constant 64 : index
      %swap3A_157 = vector.load %arg11[%swap3A_155, %swap3A_156] : memref<2080x512xbf16, #tpu.memory_space<vmem>>, vector<512x64xbf16>
      tpu.vector_store %arg11[%swap3A_155, %swap3A_156], %slice3A_154 {strides = array<i32>} : memref<2080x512xbf16, #tpu.memory_space<vmem>>, vector<512x64xbf16>,
      %slice3A_158 = vector.extract_strided_slice %concatenate3A_150 {offsets = [0, 0], sizes = [512, 128], strides = [1, 1]} : vector<512x256xbf16> to vector<512x128xbf16>
      %swap3A_159 = arith.constant 527 : index
      %swap3A_160 = arith.constant 384 : index
      %swap3A_161 = vector.load %arg11[%swap3A_159, %swap3A_160] : memref<2080x512xbf16, #tpu.memory_space<vmem>>, vector<512x128xbf16>
      tpu.vector_store %arg11[%swap3A_159, %swap3A_160], %slice3A_158 {strides = array<i32>} : memref<2080x512xbf16, #tpu.memory_space<vmem>>, vector<512x128xbf16>,
      %get3A_162 = arith.constant 0 : index
      %get3A_163 = arith.constant 1024 : index
      %get3A_164 = arith.constant 0 : index
      %get3A_165 = vector.load %arg2[%get3A_162, %get3A_163, %get3A_164] : memref<1x2048x256xbf16, #tpu.memory_space<vmem>>, vector<1x512x256xbf16>
      %get3A_166 = vector.shape_cast %get3A_165 : vector<1x512x256xbf16> to vector<512x256xbf16>
      %get3A_167 = arith.constant 1024 : index
      %get3A_168 = arith.constant 0 : index
      %get3A_169 = vector.load %arg3[%get3A_167, %get3A_168] : memref<2048x256xbf16, #tpu.memory_space<vmem>>, vector<512x256xbf16>
      %add3A_170 = arith.addf %get3A_166, %get3A_169 : vector<512x256xbf16>
      %get3A_171 = arith.constant 0 : index
      %get3A_172 = arith.constant 1024 : index
      %get3A_173 = arith.constant 0 : index
      %get3A_174 = vector.load %arg4[%get3A_171, %get3A_172, %get3A_173] : memref<1x2048x4xf32, #tpu.memory_space<vmem>>, vector<1x512x4xf32>
      %get3A_175 = vector.shape_cast %get3A_174 : vector<1x512x4xf32> to vector<512x4xf32>
      %convert_element_type3A_176 = arith.truncf %get3A_175 : vector<512x4xf32> to vector<512x4xbf16>
      %slice3A_177 = vector.extract_strided_slice %add3A_170 {offsets = [0, 0], sizes = [512, 64], strides = [1, 1]} : vector<512x256xbf16> to vector<512x64xbf16>
      %slice3A_178 = vector.extract_strided_slice %convert_element_type3A_176 {offsets = [0, 0], sizes = [512, 1], strides = [1, 1]} : vector<512x4xbf16> to vector<512x1xbf16>
      %mul3A_179 = vector.broadcast %slice3A_178 : vector<512x1xbf16> to vector<512x64xbf16>
      %mul3A_180 = arith.mulf %slice3A_177, %mul3A_179 : vector<512x64xbf16>
      %slice3A_181 = vector.extract_strided_slice %add3A_170 {offsets = [0, 64], sizes = [512, 64], strides = [1, 1]} : vector<512x256xbf16> to vector<512x64xbf16>
      %slice3A_182 = vector.extract_strided_slice %convert_element_type3A_176 {offsets = [0, 1], sizes = [512, 1], strides = [1, 1]} : vector<512x4xbf16> to vector<512x1xbf16>
      %mul3A_183 = vector.broadcast %slice3A_182 : vector<512x1xbf16> to vector<512x64xbf16>
      %mul3A_184 = arith.mulf %slice3A_181, %mul3A_183 : vector<512x64xbf16>
      %slice3A_185 = vector.extract_strided_slice %add3A_170 {offsets = [0, 128], sizes = [512, 64], strides = [1, 1]} : vector<512x256xbf16> to vector<512x64xbf16>
      %slice3A_186 = vector.extract_strided_slice %convert_element_type3A_176 {offsets = [0, 2], sizes = [512, 1], strides = [1, 1]} : vector<512x4xbf16> to vector<512x1xbf16>
      %mul3A_187 = vector.broadcast %slice3A_186 : vector<512x1xbf16> to vector<512x64xbf16>
      %mul3A_188 = arith.mulf %slice3A_185, %mul3A_187 : vector<512x64xbf16>
      %slice3A_189 = vector.extract_strided_slice %add3A_170 {offsets = [0, 192], sizes = [512, 64], strides = [1, 1]} : vector<512x256xbf16> to vector<512x64xbf16>
      %slice3A_190 = vector.extract_strided_slice %convert_element_type3A_176 {offsets = [0, 3], sizes = [512, 1], strides = [1, 1]} : vector<512x4xbf16> to vector<512x1xbf16>
      %mul3A_191 = vector.broadcast %slice3A_190 : vector<512x1xbf16> to vector<512x64xbf16>
      %mul3A_192 = arith.mulf %slice3A_189, %mul3A_191 : vector<512x64xbf16>
      %concatenate3A_193 = tpu.concatenate %mul3A_180, %mul3A_184, %mul3A_188, %mul3A_192 in 1 : vector<512x64xbf16>, vector<512x64xbf16>, vector<512x64xbf16>, vector<512x64xbf16> -> vector<512x256xbf16>
      %swap3A_194 = arith.constant 1040 : index
      %swap3A_195 = arith.constant 128 : index
      %swap3A_196 = vector.load %arg11[%swap3A_194, %swap3A_195] : memref<2080x512xbf16, #tpu.memory_space<vmem>>, vector<512x256xbf16>
      tpu.vector_store %arg11[%swap3A_194, %swap3A_195], %concatenate3A_193 {strides = array<i32>} : memref<2080x512xbf16, #tpu.memory_space<vmem>>, vector<512x256xbf16>,
      %slice3A_197 = vector.extract_strided_slice %concatenate3A_193 {offsets = [0, 192], sizes = [512, 64], strides = [1, 1]} : vector<512x256xbf16> to vector<512x64xbf16>
      %swap3A_198 = arith.constant 1041 : index
      %swap3A_199 = arith.constant 64 : index
      %swap3A_200 = vector.load %arg11[%swap3A_198, %swap3A_199] : memref<2080x512xbf16, #tpu.memory_space<vmem>>, vector<512x64xbf16>
      tpu.vector_store %arg11[%swap3A_198, %swap3A_199], %slice3A_197 {strides = array<i32>} : memref<2080x512xbf16, #tpu.memory_space<vmem>>, vector<512x64xbf16>,
      %slice3A_201 = vector.extract_strided_slice %concatenate3A_193 {offsets = [0, 0], sizes = [512, 128], strides = [1, 1]} : vector<512x256xbf16> to vector<512x128xbf16>
      %swap3A_202 = arith.constant 1039 : index
      %swap3A_203 = arith.constant 384 : index
      %swap3A_204 = vector.load %arg11[%swap3A_202, %swap3A_203] : memref<2080x512xbf16, #tpu.memory_space<vmem>>, vector<512x128xbf16>
      tpu.vector_store %arg11[%swap3A_202, %swap3A_203], %slice3A_201 {strides = array<i32>} : memref<2080x512xbf16, #tpu.memory_space<vmem>>, vector<512x128xbf16>,
      %get3A_205 = arith.constant 0 : index
      %get3A_206 = arith.constant 1536 : index
      %get3A_207 = arith.constant 0 : index
      %get3A_208 = vector.load %arg2[%get3A_205, %get3A_206, %get3A_207] : memref<1x2048x256xbf16, #tpu.memory_space<vmem>>, vector<1x512x256xbf16>
      %get3A_209 = vector.shape_cast %get3A_208 : vector<1x512x256xbf16> to vector<512x256xbf16>
      %get3A_210 = arith.constant 1536 : index
      %get3A_211 = arith.constant 0 : index
      %get3A_212 = vector.load %arg3[%get3A_210, %get3A_211] : memref<2048x256xbf16, #tpu.memory_space<vmem>>, vector<512x256xbf16>
      %add3A_213 = arith.addf %get3A_209, %get3A_212 : vector<512x256xbf16>
      %get3A_214 = arith.constant 0 : index
      %get3A_215 = arith.constant 1536 : index
      %get3A_216 = arith.constant 0 : index
      %get3A_217 = vector.load %arg4[%get3A_214, %get3A_215, %get3A_216] : memref<1x2048x4xf32, #tpu.memory_space<vmem>>, vector<1x512x4xf32>
      %get3A_218 = vector.shape_cast %get3A_217 : vector<1x512x4xf32> to vector<512x4xf32>
      %convert_element_type3A_219 = arith.truncf %get3A_218 : vector<512x4xf32> to vector<512x4xbf16>
      %slice3A_220 = vector.extract_strided_slice %add3A_213 {offsets = [0, 0], sizes = [512, 64], strides = [1, 1]} : vector<512x256xbf16> to vector<512x64xbf16>
      %slice3A_221 = vector.extract_strided_slice %convert_element_type3A_219 {offsets = [0, 0], sizes = [512, 1], strides = [1, 1]} : vector<512x4xbf16> to vector<512x1xbf16>
      %mul3A_222 = vector.broadcast %slice3A_221 : vector<512x1xbf16> to vector<512x64xbf16>
      %mul3A_223 = arith.mulf %slice3A_220, %mul3A_222 : vector<512x64xbf16>
      %slice3A_224 = vector.extract_strided_slice %add3A_213 {offsets = [0, 64], sizes = [512, 64], strides = [1, 1]} : vector<512x256xbf16> to vector<512x64xbf16>
      %slice3A_225 = vector.extract_strided_slice %convert_element_type3A_219 {offsets = [0, 1], sizes = [512, 1], strides = [1, 1]} : vector<512x4xbf16> to vector<512x1xbf16>
      %mul3A_226 = vector.broadcast %slice3A_225 : vector<512x1xbf16> to vector<512x64xbf16>
      %mul3A_227 = arith.mulf %slice3A_224, %mul3A_226 : vector<512x64xbf16>
      %slice3A_228 = vector.extract_strided_slice %add3A_213 {offsets = [0, 128], sizes = [512, 64], strides = [1, 1]} : vector<512x256xbf16> to vector<512x64xbf16>
      %slice3A_229 = vector.extract_strided_slice %convert_element_type3A_219 {offsets = [0, 2], sizes = [512, 1], strides = [1, 1]} : vector<512x4xbf16> to vector<512x1xbf16>
      %mul3A_230 = vector.broadcast %slice3A_229 : vector<512x1xbf16> to vector<512x64xbf16>
      %mul3A_231 = arith.mulf %slice3A_228, %mul3A_230 : vector<512x64xbf16>
      %slice3A_232 = vector.extract_strided_slice %add3A_213 {offsets = [0, 192], sizes = [512, 64], strides = [1, 1]} : vector<512x256xbf16> to vector<512x64xbf16>
      %slice3A_233 = vector.extract_strided_slice %convert_element_type3A_219 {offsets = [0, 3], sizes = [512, 1], strides = [1, 1]} : vector<512x4xbf16> to vector<512x1xbf16>
      %mul3A_234 = vector.broadcast %slice3A_233 : vector<512x1xbf16> to vector<512x64xbf16>
      %mul3A_235 = arith.mulf %slice3A_232, %mul3A_234 : vector<512x64xbf16>
      %concatenate3A_236 = tpu.concatenate %mul3A_223, %mul3A_227, %mul3A_231, %mul3A_235 in 1 : vector<512x64xbf16>, vector<512x64xbf16>, vector<512x64xbf16>, vector<512x64xbf16> -> vector<512x256xbf16>
      %swap3A_237 = arith.constant 1552 : index
      %swap3A_238 = arith.constant 128 : index
      %swap3A_239 = vector.load %arg11[%swap3A_237, %swap3A_238] : memref<2080x512xbf16, #tpu.memory_space<vmem>>, vector<512x256xbf16>
      tpu.vector_store %arg11[%swap3A_237, %swap3A_238], %concatenate3A_236 {strides = array<i32>} : memref<2080x512xbf16, #tpu.memory_space<vmem>>, vector<512x256xbf16>,
      %slice3A_240 = vector.extract_strided_slice %concatenate3A_236 {offsets = [0, 192], sizes = [512, 64], strides = [1, 1]} : vector<512x256xbf16> to vector<512x64xbf16>
      %swap3A_241 = arith.constant 1553 : index
      %swap3A_242 = arith.constant 64 : index
      %swap3A_243 = vector.load %arg11[%swap3A_241, %swap3A_242] : memref<2080x512xbf16, #tpu.memory_space<vmem>>, vector<512x64xbf16>
      tpu.vector_store %arg11[%swap3A_241, %swap3A_242], %slice3A_240 {strides = array<i32>} : memref<2080x512xbf16, #tpu.memory_space<vmem>>, vector<512x64xbf16>,
      %slice3A_244 = vector.extract_strided_slice %concatenate3A_236 {offsets = [0, 0], sizes = [512, 128], strides = [1, 1]} : vector<512x256xbf16> to vector<512x128xbf16>
      %swap3A_245 = arith.constant 1551 : index
      %swap3A_246 = arith.constant 384 : index
      %swap3A_247 = vector.load %arg11[%swap3A_245, %swap3A_246] : memref<2080x512xbf16, #tpu.memory_space<vmem>>, vector<512x128xbf16>
      tpu.vector_store %arg11[%swap3A_245, %swap3A_246], %slice3A_244 {strides = array<i32>} : memref<2080x512xbf16, #tpu.memory_space<vmem>>, vector<512x128xbf16>,
    } else {
    }
    %mul3A = arith.constant 512 : i32
    %mul3A_2 = arith.muli %arg1, %mul3A : i32
    %add3A = arith.constant 16 : i32
    %add3A_3 = arith.addi %add3A, %mul3A_2 : i32
    %multiple_of3A = tpu.assume_multiple %add3A_3, 16 : i32
    %get3A = arith.index_cast %multiple_of3A : i32 to index
    %get3A_4 = arith.constant 0 : index
    %get3A_5 = vector.load %arg11[%get3A, %get3A_4] : memref<2080x512xbf16, #tpu.memory_space<vmem>>, vector<512x512xbf16>
    %get3A_6 = arith.constant 0 : index
    %get3A_7 = arith.constant 0 : index
    %get3A_8 = vector.load %arg7[%get3A_6, %get3A_7] : memref<256x512xbf16, #tpu.memory_space<vmem>>, vector<256x512xbf16>
    %slice3A = vector.extract_strided_slice %get3A_5 {offsets = [0, 64], sizes = [512, 256], strides = [1, 1]} : vector<512x512xbf16> to vector<512x256xbf16>
    %dot_general3A = arith.constant dense<0.000000e+00> : vector<512x512xf32>
    %dot_general3A_9 = tpu.matmul %slice3A, %get3A_8, %dot_general3A {dimension_numbers = #tpu.dot_dimension_numbers<[1], [0], [0], [1], [0, 0, 1, 1], [], []>, transpose_lhs_hint = false} : vector<512x256xbf16>, vector<256x512xbf16>, vector<512x512xf32> -> vector<512x512xf32>
    %slice3A_10 = vector.extract_strided_slice %get3A_5 {offsets = [0, 128], sizes = [512, 256], strides = [1, 1]} : vector<512x512xbf16> to vector<512x256xbf16>
    %dot_general3A_11 = arith.constant dense<0.000000e+00> : vector<512x512xf32>
    %dot_general3A_12 = tpu.matmul %slice3A_10, %get3A_8, %dot_general3A_11 {dimension_numbers = #tpu.dot_dimension_numbers<[1], [0], [0], [1], [0, 0, 1, 1], [], []>, transpose_lhs_hint = false} : vector<512x256xbf16>, vector<256x512xbf16>, vector<512x512xf32> -> vector<512x512xf32>
    %slice3A_13 = vector.extract_strided_slice %get3A_5 {offsets = [0, 192], sizes = [512, 256], strides = [1, 1]} : vector<512x512xbf16> to vector<512x256xbf16>
    %dot_general3A_14 = arith.constant dense<0.000000e+00> : vector<512x512xf32>
    %dot_general3A_15 = tpu.matmul %slice3A_13, %get3A_8, %dot_general3A_14 {dimension_numbers = #tpu.dot_dimension_numbers<[1], [0], [0], [1], [0, 0, 1, 1], [], []>, transpose_lhs_hint = false} : vector<512x256xbf16>, vector<256x512xbf16>, vector<512x512xf32> -> vector<512x512xf32>
    %slice3A_16 = vector.extract_strided_slice %get3A_5 {offsets = [0, 256], sizes = [512, 256], strides = [1, 1]} : vector<512x512xbf16> to vector<512x256xbf16>
    %dot_general3A_17 = arith.constant dense<0.000000e+00> : vector<512x512xf32>
    %dot_general3A_18 = tpu.matmul %slice3A_16, %get3A_8, %dot_general3A_17 {dimension_numbers = #tpu.dot_dimension_numbers<[1], [0], [0], [1], [0, 0, 1, 1], [], []>, transpose_lhs_hint = false} : vector<512x256xbf16>, vector<256x512xbf16>, vector<512x512xf32> -> vector<512x512xf32>
    %max3A = arith.maximumf %dot_general3A_9, %dot_general3A_12 : vector<512x512xf32>
    %max3A_19 = arith.maximumf %dot_general3A_15, %dot_general3A_18 : vector<512x512xf32>
    %max3A_20 = arith.maximumf %max3A, %max3A_19 : vector<512x512xf32>
    %get3A_21 = arith.constant 0 : index
    %get3A_22 = arith.constant 0 : index
    %get3A_23 = arith.constant 0 : index
    %get3A_24 = vector.load %arg5[%get3A_21, %get3A_22, %get3A_23] : memref<1x512x4xf32, #tpu.memory_space<vmem>>, vector<1x512x4xf32>
    %get3A_25 = vector.shape_cast %get3A_24 : vector<1x512x4xf32> to vector<512x4xf32>
    %reduce_max3A = arith.constant dense<0xFF800000> : vector<512xf32>
    %reduce_max3A_26 = vector.multi_reduction <maximumf>, %get3A_25, %reduce_max3A [1] : vector<512x4xf32> to vector<512xf32>
    %get3A_27 = arith.constant 0 : index
    %get3A_28 = arith.constant 0 : index
    %get3A_29 = vector.load %arg8[%get3A_27, %get3A_28] : memref<1x512xf32, #tpu.memory_space<vmem>>, vector<1x512xf32>
    %get3A_30 = vector.shape_cast %get3A_29 : vector<1x512xf32> to vector<512xf32>
    %broadcast_in_dim3A = vector.shape_cast %get3A_30 : vector<512xf32> to vector<1x512xf32>
    %add3A_31 = vector.broadcast %broadcast_in_dim3A : vector<1x512xf32> to vector<512x512xf32>
    %add3A_32 = arith.addf %max3A_20, %add3A_31 : vector<512x512xf32>
    %integer_pow3A = arith.mulf %add3A_32, %add3A_32 : vector<512x512xf32>
    %integer_pow3A_33 = arith.mulf %add3A_32, %integer_pow3A : vector<512x512xf32>
    %mul3A_34 = arith.constant 4.471500e-02 : f32
    %mul3A_35 = vector.broadcast %mul3A_34 : f32 to vector<512x512xf32>
    %mul3A_36 = arith.mulf %mul3A_35, %integer_pow3A_33 : vector<512x512xf32>
    %add3A_37 = arith.addf %add3A_32, %mul3A_36 : vector<512x512xf32>
    %mul3A_38 = arith.constant 0.797884583 : f32
    %mul3A_39 = vector.broadcast %mul3A_38 : f32 to vector<512x512xf32>
    %mul3A_40 = arith.mulf %mul3A_39, %add3A_37 : vector<512x512xf32>
    %tanh3A = math.tanh %mul3A_40 : vector<512x512xf32>
    %add3A_41 = arith.constant 1.000000e+00 : f32
    %add3A_42 = vector.broadcast %add3A_41 : f32 to vector<512x512xf32>
    %add3A_43 = arith.addf %add3A_42, %tanh3A : vector<512x512xf32>
    %mul3A_44 = arith.constant 5.000000e-01 : f32
    %mul3A_45 = vector.broadcast %mul3A_44 : f32 to vector<512x512xf32>
    %mul3A_46 = arith.mulf %mul3A_45, %add3A_43 : vector<512x512xf32>
    %mul3A_47 = arith.mulf %add3A_32, %mul3A_46 : vector<512x512xf32>
    %broadcast_in_dim3A_48 = vector.shape_cast %reduce_max3A_26 : vector<512xf32> to vector<512x1xf32>
    %mul3A_49 = vector.broadcast %broadcast_in_dim3A_48 : vector<512x1xf32> to vector<512x512xf32>
    %mul3A_50 = arith.mulf %mul3A_47, %mul3A_49 : vector<512x512xf32>
    %swap3A = arith.constant 0 : index
    %swap3A_51 = arith.constant 0 : index
    %swap3A_52 = arith.constant 0 : index
    %swap3A_53 = vector.load %arg9[%swap3A, %swap3A_51, %swap3A_52] : memref<1x512x512xf32, #tpu.memory_space<vmem>>, vector<1x512x512xf32>
    %swap3A_54 = vector.shape_cast %swap3A_53 : vector<1x512x512xf32> to vector<512x512xf32>
    %swap3A_55 = vector.shape_cast %mul3A_50 : vector<512x512xf32> to vector<1x512x512xf32>
    tpu.vector_store %arg9[%swap3A, %swap3A_51, %swap3A_52], %swap3A_55 {strides = array<i32>} : memref<1x512x512xf32, #tpu.memory_space<vmem>>, vector<1x512x512xf32>,
    %get3A_56 = arith.constant 0 : index
    %get3A_57 = arith.constant 0 : index
    %get3A_58 = arith.constant 0 : index
    %get3A_59 = vector.load %arg6[%get3A_56, %get3A_57, %get3A_58] : memref<1x4x512xf32, #tpu.memory_space<vmem>>, vector<1x4x512xf32>
    %get3A_60 = vector.shape_cast %get3A_59 : vector<1x4x512xf32> to vector<4x512xf32>
    %reduce_max3A_61 = arith.constant dense<0xFF800000> : vector<512xf32>
    %reduce_max3A_62 = vector.multi_reduction <maximumf>, %get3A_60, %reduce_max3A_61 [0] : vector<4x512xf32> to vector<512xf32>
    %swap3A_63 = arith.constant 0 : index
    %swap3A_64 = arith.constant 0 : index
    %swap3A_65 = arith.constant 0 : index
    %swap3A_66 = vector.load %arg10[%swap3A_63, %swap3A_64, %swap3A_65] : memref<1x1x512xf32, #tpu.memory_space<vmem>>, vector<1x1x512xf32>
    %swap3A_67 = vector.shape_cast %swap3A_66 : vector<1x1x512xf32> to vector<512xf32>
    %swap3A_68 = vector.shape_cast %reduce_max3A_62 : vector<512xf32> to vector<1x1x512xf32>
    tpu.vector_store %arg10[%swap3A_63, %swap3A_64, %swap3A_65], %swap3A_68 {strides = array<i32>} : memref<1x1x512xf32, #tpu.memory_space<vmem>>, vector<1x1x512xf32>,
    return
  }
  func.func @transform_0(%arg0: i32, %arg1: i32) -> (i32, i32, i32) {
    %c0_i32 = arith.constant 0 : i32
    %c0_i32_0 = arith.constant 0 : i32
    %c0_i32_1 = arith.constant 0 : i32
    return %arg0, %c0_i32, %c0_i32_0 : i32, i32, i32
  }
  func.func @transform_1(%arg0: i32, %arg1: i32) -> (i32, i32) {
    %c0_i32 = arith.constant 0 : i32
    %c0_i32_0 = arith.constant 0 : i32
    %c0_i32_1 = arith.constant 0 : i32
    return %c0_i32, %c0_i32_0 : i32, i32
  }
  func.func @transform_2(%arg0: i32, %arg1: i32) -> (i32, i32, i32) {
    %c0_i32 = arith.constant 0 : i32
    %c0_i32_0 = arith.constant 0 : i32
    %c0_i32_1 = arith.constant 0 : i32
    return %arg0, %c0_i32, %c0_i32_0 : i32, i32, i32
  }
  func.func @transform_3(%arg0: i32, %arg1: i32) -> (i32, i32, i32) {
    %c0_i32 = arith.constant 0 : i32
    %c0_i32_0 = arith.constant 0 : i32
    return %arg0, %arg1, %c0_i32 : i32, i32, i32
  }
  func.func @transform_4(%arg0: i32, %arg1: i32) -> (i32, i32, i32) {
    %c0_i32 = arith.constant 0 : i32
    %c0_i32_0 = arith.constant 0 : i32
    return %arg0, %c0_i32, %arg1 : i32, i32, i32
  }
  func.func @transform_5(%arg0: i32, %arg1: i32) -> (i32, i32) {
    %c0_i32 = arith.constant 0 : i32
    %c0_i32_0 = arith.constant 0 : i32
    %c0_i32_1 = arith.constant 0 : i32
    return %c0_i32, %c0_i32_0 : i32, i32
  }
  func.func @transform_6(%arg0: i32, %arg1: i32) -> (i32, i32) {
    %c0_i32 = arith.constant 0 : i32
    %c0_i32_0 = arith.constant 0 : i32
    %c0_i32_1 = arith.constant 0 : i32
    return %c0_i32, %c0_i32_0 : i32, i32
  }
  func.func @transform_7(%arg0: i32, %arg1: i32) -> (i32, i32, i32) {
    %c0_i32 = arith.constant 0 : i32
    %c0_i32_0 = arith.constant 0 : i32
    return %arg0, %arg1, %c0_i32 : i32, i32, i32
  }
  func.func @transform_8(%arg0: i32, %arg1: i32) -> (i32, i32, i32) {
    %c0_i32 = arith.constant 0 : i32
    %c0_i32_0 = arith.constant 0 : i32
    return %arg0, %c0_i32, %arg1 : i32, i32, i32
  }
}

</mosaic_0001>

<sc_bundles>
// kernel: kernel.4.cloned.1.call-start
scs
__scs_entry_jumppad:
0x0: {  	(pc) =	sbr.rel $0x88, $3  }
0x1: {  	(tag) =	ssettag $0x0;
	lr =	simm.s32 $0x1  }
0x2: {  	[smem:$0x3F9B] =	sst lr;
	_ =	strace $0xD0000000  }
0x3: {  	_ = 	snop  }
0x4: {  	_ = 	snop  }
0x5: {  	_ = 	snop  }
0x6: {  	_ = 	snop  }
0x7: {  	_ = 	snop  }
__scs_overlays_trampoline_lowered:
0x8: {  	[smem:$0x3FAA] =	sst s0  }
0x9: {  	[smem:$0x3FAB] =	sst s1  }
0xa: {  	[smem:$0x3FAC] =	sst s2  }
0xb: {  	[smem:$0x3FAD] =	sst s3  }
0xc: {  	[smem:$0x3FAE] =	sst s4  }
0xd: {  	[smem:$0x3FAF] =	sst s5  }
0xe: {  	[smem:$0x3FB0] =	sst s6  }
0xf: {  	[smem:$0x3FB1] =	sst s7  }
0x10: {  	[smem:$0x3FB2] =	sst s8  }
0x11: {  	[smem:$0x3FB3] =	sst s9;
	s0 =	simm.s32 @!p0 $0x0  }
0x12: {  	s1 =	sld [smem:$0x3F99];
	s0 =	simm.s32 @p0 $0x1  }
0x13: {  	[smem:$0x3FB4] =	sst s0;
	s0 =	simm.s32 @!p1 $0x0  }
0x14: {  	s2 =	sld [smem:$0x3F98];
	s0 =	simm.s32 @p1 $0x1  }
0x15: {  	[smem:$0x3FB5] =	sst s0;
	s0 =	simm.s32 @!p2 $0x0  }
0x16: {  	s3 =	sld [smem:$0x3FDB];
	s0 =	simm.s32 @p2 $0x1  }
0x17: {  	s4 =	simm.s32 $0x1BF5;
	[smem:$0x3FB7] =	sst s0  }
0x18: {  	s0 =	sld [smem:$0x3F9A];
	_ =	swait.ge [sflag:s4], $0x0  }
0x19: {  	s7 =	sld [smem:$0x3F9B]  }
0x1a: {  	s8 =	sadd.s32 $0xFFFFE003, lr  }
0x1b: {  	s9 =	sadd.s32 $0xFFFFFEF7, lr;
	s5 =	simm.s32 $0xFFFFFFFF;
	p2 =	slt.u32 s8, $0xFFFFF086  }
0x1c: {  	p1 =	slt.u32 s9, $0xF7A;
	s5 =	simm.s32 @!p2 $0x0  }
0x1d: {  	s5 =	simm.s32 @p1 $0x1;
	p0 =	seq.s32 s7, s2  }
0x1e: {  	s7 =	smul.u32 @!p0 $0xF7A, s2;
	p2 =	seq.s32 @!p0 s5, $0x0  }
0x1f: {  	s9 =	smul.u32 $0xF7A, s1;
	s8 =	simm.s32 @!p0 $0x1BF5;
	p2 =	por !p2, p0  }
0x20: {  	[sflag:s8] =	ssyncset.s32 @!p0 $0xFFFFF086;
	s6 =	sadd.s32 @!p0 s3, s7;
	s7 =	simm.s32 @!p0 $0x108  }
0x21: {  	s3 =	sadd.s32 s3, s9;
	s6 =	sadd.s32 @!p0 $0x88, s6;
	s7 =	simm.s32 @p2 $0x1082  }
0x22: {  	[simem:s7], [sflag:s8] =	dma.local @!p0 [hbm:s6], $0xF7A  }
0x23: {  	s9 =	sor.u32 $0xD0000000, s2;
	s6 =	simm.s32 $0x108;
	_ =	swait.ge @!p0 [sflag:s8], $0x0  }
0x24: {  	s3 =	sadd.s32 $0x88, s3;
	s6 =	simm.s32 @!p1 $0x1082;
	[sflag:s4] =	ssyncset.s32 $0xFFFFF086  }
0x25: {  	[simem:s6], [sflag:s4] =	dma.local [hbm:s3], $0xF7A  }
0x26: {  	[smem:$0x3F9B] =	sst s1;
	(tag) =	ssettag s2;
	_ =	strace s9  }
0x27: {  	s1 =	sld [smem:$0x3FAB]  }
0x28: {  	s2 =	sld [smem:$0x3FAC]  }
0x29: {  	s4 =	sld [smem:$0x3FAE]  }
0x2a: {  	p0 =	seq.s32 s5, $0x0;
	s5 =	sld [smem:$0x3FAF]  }
0x2b: {  	s6 =	sld [smem:$0x3FB0]  }
0x2c: {  	s7 =	sld [smem:$0x3FB1]  }
0x2d: {  	s3 =	simm.s32 $0x108;
	s8 =	sld [smem:$0x3FB2]  }
0x2e: {  	s3 =	simm.s32 @!p0 $0x1082;
	s9 =	sld [smem:$0x3FB3]  }
0x2f: {  	lr =	sadd.s32 s0, s3;
	s0 =	sld [smem:$0x3FAA]  }
0x30: {  	s3 =	sld [smem:$0x3FAD]  }
0x31: {  	[smem:$0x3FB6] =	sst s10  }
0x32: {  	s10 =	sld [smem:$0x3FB4];
	_ =	sdelay $0x3  }
0x33: {  	p0 =	seq.s32 s10, $0x1;
	s10 =	sld [smem:$0x3FB6];
	_ =	sdelay $0x3  }
0x34: {  	[smem:$0x3FB6] =	sst s10  }
0x35: {  	s10 =	sld [smem:$0x3FB5];
	_ =	sdelay $0x3  }
0x36: {  	p1 =	seq.s32 s10, $0x1;
	s10 =	sld [smem:$0x3FB6];
	_ =	sdelay $0x3  }
0x37: {  	[smem:$0x3FB6] =	sst s10  }
0x38: {  	s10 =	sld [smem:$0x3FB7]  }
0x39: {  	_ = 	snop;
	(pc) =	sbr.ind lr, $3  }
0x3a: {  	_ = 	snop  }
0x3b: {  	_ = 	snop  }
0x3c: {  	p2 =	seq.s32 s10, $0x1;
	s10 =	sld [smem:$0x3FB6]  }
0x3d: {  	_ =	shalt  }
0x3e: {  	_ =	shalt  }
0x3f: {  	_ =	shalt  }
0x40: {  	_ =	shalt  }
0x41: {  	_ =	shalt  }
0x42: {  	_ =	shalt  }
0x43: {  	_ =	shalt  }
0x44: {  	_ =	shalt  }
0x45: {  	_ =	shalt  }
0x46: {  	_ =	shalt  }
0x47: {  	_ =	shalt  }
0x48: {  	_ =	shalt  }
0x49: {  	_ =	shalt  }
0x4a: {  	_ =	shalt  }
0x4b: {  	_ =	shalt  }
0x4c: {  	_ =	shalt  }
0x4d: {  	_ =	shalt  }
0x4e: {  	_ =	shalt  }
0x4f: {  	_ =	shalt  }
0x50: {  	_ =	shalt  }
0x51: {  	_ =	shalt  }
0x52: {  	_ =	shalt  }
0x53: {  	_ =	shalt  }
0x54: {  	_ =	shalt  }
0x55: {  	_ =	shalt  }
0x56: {  	_ =	shalt  }
0x57: {  	_ =	shalt  }
0x58: {  	_ =	shalt  }
0x59: {  	_ =	shalt  }
0x5a: {  	_ =	shalt  }
0x5b: {  	_ =	shalt  }
0x5c: {  	_ =	shalt  }
0x5d: {  	_ =	shalt  }
0x5e: {  	_ =	shalt  }
0x5f: {  	_ =	shalt  }
0x60: {  	_ =	shalt  }
0x61: {  	_ =	shalt  }
0x62: {  	_ =	shalt  }
0x63: {  	_ =	shalt  }
0x64: {  	_ =	shalt  }
0x65: {  	_ =	shalt  }
0x66: {  	_ =	shalt  }
0x67: {  	_ =	shalt  }
0x68: {  	_ =	shalt  }
0x69: {  	_ =	shalt  }
0x6a: {  	_ =	shalt  }
0x6b: {  	_ =	shalt  }
0x6c: {  	_ =	shalt  }
0x6d: {  	_ =	shalt  }
0x6e: {  	_ =	shalt  }
0x6f: {  	_ =	shalt  }
0x70: {  	_ =	shalt  }
0x71: {  	_ =	shalt  }
0x72: {  	_ =	shalt  }
0x73: {  	_ =	shalt  }
0x74: {  	_ =	shalt  }
0x75: {  	_ =	shalt  }
0x76: {  	_ =	shalt  }
0x77: {  	_ =	shalt  }
0x78: {  	_ =	shalt  }
0x79: {  	_ =	shalt  }
0x7a: {  	_ =	shalt  }
0x7b: {  	_ =	shalt  }
0x7c: {  	_ =	shalt  }
0x7d: {  	_ =	shalt  }
0x7e: {  	_ =	shalt  }
0x7f: {  	_ =	shalt  }
0x80: {  	_ =	shalt  }
0x81: {  	_ =	shalt  }
0x82: {  	_ =	shalt  }
0x83: {  	_ =	shalt  }
0x84: {  	_ =	shalt  }
0x85: {  	_ =	shalt  }
0x86: {  	_ =	shalt  }
0x87: {  	_ =	shalt  }
.Lfunc_end0:
.L_simem_size_0:
called_computation_lowered:
.L_overlay_start_0:
0x88: {  	s2 =	sld [smem:$0x3FD9]  }
0x89: {  	s3 =	sld [smem:$0x3FFE];
	_ =	sdelay $0x1  }
0x8a: {  	s1 =	srdreg.scid  }
0x8b: {  	s0 =	sand.u32 $0x1, s1  }
0x8c: {  	s14 =	sshll.u32 s0, $0xA;
	s2 =	sadd.s32 s3, s2  }
0x8d: {  	s2 =	sadd.s32 s2, s14  }
0x8e: {  	[smem:$0x3FC2] =	sst s2  }
0x8f: {  	_ = 	snop  }
0x90: {  	s2 =	sld [smem:$0x3FD0];
	_ =	sdelay $0x2  }
0x91: {  	s15 =	simm.s32 $0xA;
	s4 =	simm.s32 $0x10  }
0x92: {  	[smem:s4], [sflag:s15] =	dma.local [hbm:s2], $0x1  }
0x93: {  	_ =	swait.eq [sflag:s15], $0x1  }
0x94: {  	[sflag:s15] =	ssyncset.done $0x0  }
0x95: {  	[sflag:s15] =	ssyncadd.s32 $0xFFFFFFFF  }
0x96: {  	s16 =	sld [smem:$0x10];
	(tm) =	ssettm $0x1  }
0x97: {  	s17 =	sld [smem:$0x3FFB];
	_ =	sdelay $0x3  }
0x98: {  	_ =	strace s17  }
0x99: {  	s3 =	sld [smem:$0x3FFC];
	_ =	sdelay $0x3  }
0x9a: {  	_ =	strace s3  }
0x9b: {  	s3 =	sld [smem:$0x3FFD];
	_ =	sdelay $0x3  }
0x9c: {  	_ =	strace s3  }
0x9d: {  	_ =	strace $0x8FFFFFFF  }
0x9e: {  	s18 =	sld [smem:$0x3FDB];
	_ =	sdelay $0x1  }
0x9f: {  	s19 =	simm.s32 $_scs_section_size  }
0xa0: {  	s5 =	simm.s32 $_size__tile_overlayer_lowered;
	s6 =	simm.s32 $_tile_overlayer_lowered  }
0xa1: {  	s22 =	simm.s32 $0x1BFF;
	s21 =	sshll.u32 s6, $0x1;
	s3 =	sadd.s32 s19, s18  }
0xa2: {  	s7 =	simm.s32 $0x0;
	s20 =	sshll.u32 s5, $0x1;
	s5 =	sadd.s32 s21, s3  }
0xa3: {  	[timem:s7], [sflag:s22] =	dma.local [hbm:s5], s20  }
0xa4: {  	_ =	swait.ge [sflag:s22], s20  }
0xa5: {  	s4 =	ssub.s32 $0x0, s20;
	[sflag:s22] =	ssyncset.done $0x0  }
0xa6: {  	[sflag:s22] =	ssyncadd.s32 s4;
	_ =	sdelay $0x1  }
0xa7: {  	s23 =	simm.s32 $0x1B8B  }
0xa8: {  	_ =	swait.ge [sflag:s23], $0x1  }
0xa9: {  	[sflag:s23] =	ssyncset.done $0x0  }
0xaa: {  	s25 =	simm.s32 $0x1B8E;
	s24 =	sld [smem:$0x3FFE];
	[sflag:s23] =	ssyncadd.s32 $0xFFFFFFFF  }
0xab: {  	s26 =	simm.s32 $execute0_lowered;
	[smem:$0x3FD2] =	sst s25  }
0xac: {  	s5 =	sshll.u32 s26, $0x1;
	_ =	strace $0x80000046;
	[dreg:$0x1] =	wrdreg $0xFFFFFFFF  }
0xad: {  	s28 =	simm.s32 $_size_execute0_lowered;
	s3 =	sadd.s32 s3, s5;
	[dreg:$0x0] =	wrdreg $0x0  }
0xae: {  	s5 =	sshll.u32 s28, $0x1;
	[dreg:$0x2] =	wrdreg s3  }
0xaf: {  	[dreg:$0x3] =	wrdreg s5  }
0xb0: {  	[dreg:$0x4] =	wrdreg $0xC0  }
0xb1: {  	_ =	task [dreg:s7], $0x5FFFF  }
0xb2: {  	[dreg:$0x1] =	wrdreg $0xFFFFFFFF  }
0xb3: {  	[dreg:$0x0] =	wrdreg $0x60  }
0xb4: {  	[dreg:$0x2] =	wrdreg s24  }
0xb5: {  	[dreg:$0x3] =	wrdreg s16  }
0xb6: {  	[dreg:$0x4] =	wrdreg $0x9  }
0xb7: {  	_ =	task.clear_ibuf [dreg:s7], $0x5FFFF;
	_ =	strace $0x90000046  }
0xb8: {  	s29 =	simm.s32 $0x9;
	_ =	strace $0x80000048  }
0xb9: {  	_ =	swait.ge [sflag:s29], $0x1  }
0xba: {  	[sflag:s29] =	ssyncadd.s32 $0xFFFFFFFF  }
0xbb: {  	_ =	strace $0x90000048  }
0xbc: {  	_ =	sfence  }
0xbd: {  	s30 =	sld [smem:$0x0];
	_ =	sdelay $0x2  }
0xbe: {  	s31 =	sshll.u32 s1, $0xD;
	s1 =	sshrl.u32 s1, $0x2  }
0xbf: {  	s3 =	sand.u32 $0x4000, s31;
	s1 =	sadd.s32 s1, s30  }
0xc0: {  	s0 =	sor.u32 s3, s0;
	s1 =	sshll.u32 s1, $0x11  }
0xc1: {  	s0 =	sor.u32 s1, s0  }
0xc2: {  	s0 =	sadd.s32 $0x8F2B, s0  }
0xc3: {  	[sflag:s0] =	ssyncadd.remote.s32 $0x1  }
0xc4: {  	_ =	sfence.sel $0xFFFF  }
0xc5: {  	[dreg:$0x0] =	wrdreg $0xFFFFFFFF;
	(pc) =	sbr.abs _section_cstart, $3  }
0xc6: {  	[dreg:$0x1] =	wrdreg $0xFFFFFFFF  }
0xc7: {  	_ =	task.clear_ibuf [dreg:s7], $0x2FFFF;
	_ =	strace $0x9FFFFFFF  }
0xc8: {  	(tm) =	ssettm $0x7FFFFFFF  }
0xc9: {  	_ =	shalt  }
tec
execute0_lowered:
.L_overlay_start_1:
0x0: {  	(tag) =	ssettag $0x1  }
0x1: {  	s1 =	srdreg.scid;
	s0 =	stileid.u32  }
0x2: {  	s5 =	rddreg [dreg:$0x0];
	s24 =	sand.u32 $0x1, s1;
	s30 =	sshll.u32 s0, $0x1  }
0x3: {  	s22 =	rddreg [dreg:$0x1];
	s23 =	sor.u32 s24, s30  }
0x4: {  	s2 =	simm.s32 $0x0;
	s1 =	rddreg [dreg:$0x2];
	s3 =	sshll.u32 s23, $0x7  }
0x5: {  	[smem:$0x7FF] =	sst s2;
	s3 =	sadd.s32 s3, s5  }
0x6: {  	_ =	strace $0x80000047;
	s4 =	sadd.s32 $0x1600, s3;
	s3 =	simm.s32 $0x2  }
0x7: {  	[tilespmem:s2], [sflag:$0x2] =	stream.linear.gather [hbm4b:s4+s2], $0x400, $0x38;
	[tilespmem:$0x8400] =	vst v63  }
0x8: {  	_ =	swait.ge [sflag:s3], $0x400  }
0x9: {  	s6 =	simm.s32 $0x80;
	[sflag:s3] =	ssyncset.done $0x0  }
0xa: {  	s7 =	simm.s32 $0x400;
	s5 =	sadd.s32 $0xE00, s5;
	[sflag:s3] =	ssyncadd.s32 $0xFFFFFC00  }
0xb: {  	[tilespmem:s7], [sflag:$0x1] =	stream.indirect.gather [hbm4b:s5+s6], $0x20, s2, s6, $0xb8;
	[tilespmem:$0x8400] =	vst v63  }
0xc: {  	s8 =	simm.s32 $0x1400  }
0xd: {  	[tilespmem:s8], [sflag:$0x1] =	stream.indirect.gather [hbm4b:s5+s6], $0x20, s6, s6, $0xb8;
	[tilespmem:$0x8400] =	vst v63  }
0xe: {  	s9 =	simm.s32 $0x100;
	s10 =	simm.s32 $0x2400  }
0xf: {  	[tilespmem:s10], [sflag:$0x1] =	stream.indirect.gather [hbm4b:s5+s6], $0x20, s9, s6, $0xb8;
	[tilespmem:$0x8400] =	vst v63  }
0x10: {  	s11 =	simm.s32 $0x180;
	s12 =	simm.s32 $0x3400  }
0x11: {  	[tilespmem:s12], [sflag:$0x1] =	stream.indirect.gather [hbm4b:s5+s6], $0x20, s11, s6, $0xb8;
	[tilespmem:$0x8400] =	vst v63  }
0x12: {  	s13 =	simm.s32 $0x200;
	s14 =	simm.s32 $0x4400  }
0x13: {  	[tilespmem:s14], [sflag:$0x1] =	stream.indirect.gather [hbm4b:s5+s6], $0x20, s13, s6, $0xb8;
	[tilespmem:$0x8400] =	vst v63  }
0x14: {  	s15 =	simm.s32 $0x280;
	s16 =	simm.s32 $0x5400  }
0x15: {  	[tilespmem:s16], [sflag:$0x1] =	stream.indirect.gather [hbm4b:s5+s6], $0x20, s15, s6, $0xb8;
	[tilespmem:$0x8400] =	vst v63  }
0x16: {  	s17 =	simm.s32 $0x300;
	s18 =	simm.s32 $0x6400  }
0x17: {  	[tilespmem:s18], [sflag:$0x1] =	stream.indirect.gather [hbm4b:s5+s6], $0x20, s17, s6, $0xb8;
	[tilespmem:$0x8400] =	vst v63  }
0x18: {  	s19 =	simm.s32 $0x380;
	s20 =	simm.s32 $0x7400;
	s21 =	simm.s32 $0x1  }
0x19: {  	[tilespmem:s20], [sflag:$0x1] =	stream.indirect.gather [hbm4b:s5+s6], $0x20, s19, s6, $0xb8;
	[tilespmem:$0x8400] =	vst v63  }
0x1a: {  	_ =	swait.ge [sflag:s21], $0x1000  }
0x1b: {  	[sflag:s21] =	ssyncset.done $0x0  }
0x1c: {  	[sflag:s21] =	ssyncadd.s32 $0xFFFFF000  }
0x1d: {  	_ =	swait.ge [sflag:s21], $0x1000  }
0x1e: {  	[sflag:s21] =	ssyncset.done $0x0  }
0x1f: {  	[sflag:s21] =	ssyncadd.s32 $0xFFFFF000  }
0x20: {  	_ =	swait.ge [sflag:s21], $0x1000  }
0x21: {  	[sflag:s21] =	ssyncset.done $0x0  }
0x22: {  	[sflag:s21] =	ssyncadd.s32 $0xFFFFF000  }
0x23: {  	_ =	swait.ge [sflag:s21], $0x1000  }
0x24: {  	[sflag:s21] =	ssyncset.done $0x0  }
0x25: {  	[sflag:s21] =	ssyncadd.s32 $0xFFFFF000  }
0x26: {  	_ =	swait.ge [sflag:s21], $0x1000  }
0x27: {  	[sflag:s21] =	ssyncset.done $0x0  }
0x28: {  	[sflag:s21] =	ssyncadd.s32 $0xFFFFF000  }
0x29: {  	_ =	swait.ge [sflag:s21], $0x1000  }
0x2a: {  	[sflag:s21] =	ssyncset.done $0x0  }
0x2b: {  	s24 =	ssub.s32 $0x2, s24;
	[sflag:s21] =	ssyncadd.s32 $0xFFFFF000  }
0x2c: {  	s25 =	sshrl.u32 s24, $0x1;
	_ =	swait.ge [sflag:s21], $0x1000  }
0x2d: {  	s24 =	ssub.s32 s24, s25;
	[sflag:s21] =	ssyncset.done $0x0  }
0x2e: {  	s31 =	smax.u32 s24, $0x1;
	[sflag:s21] =	ssyncadd.s32 $0xFFFFF000  }
0x2f: {  	p0 =	sne.s32 s31, $0x1;
	_ =	swait.ge [sflag:s21], $0x1000  }
.Ltmp0:
0x30: {  	s23 =	sshll.u32 s23, $0xC;
	[sflag:s21] =	ssyncset.done $0x0;
	(pc) =	sbr.rel @!p0 .LBB2_2-.Ltmp0, $4  }
0x31: {  	s22 =	sadd.s32 s22, s23;
	[sflag:s21] =	ssyncadd.s32 $0xFFFFF000  }
0x32: {  	[hbm4b:s22+s2] =	stream.linear.scatter [tilespmem:s7], [sflag:$0x2], $0x8000, $0x38;
	[tilespmem:$0x8400] =	vst v63  }
0x33: {  	_ =	swait.ge [sflag:s3], $0x8000  }
0x34: {  	s23 =	sadd.s32 $0xFFFFFFFF, s31;
	[sflag:s3] =	ssyncset.done $0x0  }
.LBB2_1:
0x35: {  	p0 =	sne.s32 s23, $0x1;
	s23 =	sadd.s32 $0xFFFFFFFF, s23;
	[sflag:s3] =	ssyncadd.s32 $0xFFFF8000  }
0x36: {  	[tilespmem:s2], [sflag:$0x2] =	stream.linear.gather [hbm4b:s4+s2], $0x400, $0x38;
	[tilespmem:$0x8400] =	vst v63  }
0x37: {  	_ =	swait.ge [sflag:s3], $0x400  }
0x38: {  	[sflag:s3] =	ssyncset.done $0x0  }
0x39: {  	[sflag:s3] =	ssyncadd.s32 $0xFFFFFC00  }
0x3a: {  	[tilespmem:s7], [sflag:$0x1] =	stream.indirect.gather [hbm4b:s5+s6], $0x20, s2, s6, $0xb8;
	[tilespmem:$0x8400] =	vst v63  }
0x3b: {  	_ = 	snop  }
0x3c: {  	[tilespmem:s8], [sflag:$0x1] =	stream.indirect.gather [hbm4b:s5+s6], $0x20, s6, s6, $0xb8;
	[tilespmem:$0x8400] =	vst v63  }
0x3d: {  	_ = 	snop  }
0x3e: {  	[tilespmem:s10], [sflag:$0x1] =	stream.indirect.gather [hbm4b:s5+s6], $0x20, s9, s6, $0xb8;
	[tilespmem:$0x8400] =	vst v63  }
0x3f: {  	_ = 	snop  }
0x40: {  	[tilespmem:s12], [sflag:$0x1] =	stream.indirect.gather [hbm4b:s5+s6], $0x20, s11, s6, $0xb8;
	[tilespmem:$0x8400] =	vst v63  }
0x41: {  	_ = 	snop  }
0x42: {  	[tilespmem:s14], [sflag:$0x1] =	stream.indirect.gather [hbm4b:s5+s6], $0x20, s13, s6, $0xb8;
	[tilespmem:$0x8400] =	vst v63  }
0x43: {  	_ = 	snop  }
0x44: {  	[tilespmem:s16], [sflag:$0x1] =	stream.indirect.gather [hbm4b:s5+s6], $0x20, s15, s6, $0xb8;
	[tilespmem:$0x8400] =	vst v63  }
0x45: {  	_ = 	snop  }
0x46: {  	[tilespmem:s18], [sflag:$0x1] =	stream.indirect.gather [hbm4b:s5+s6], $0x20, s17, s6, $0xb8;
	[tilespmem:$0x8400] =	vst v63  }
0x47: {  	_ = 	snop  }
0x48: {  	[tilespmem:s20], [sflag:$0x1] =	stream.indirect.gather [hbm4b:s5+s6], $0x20, s19, s6, $0xb8;
	[tilespmem:$0x8400] =	vst v63  }
0x49: {  	_ =	swait.ge [sflag:s21], $0x1000  }
0x4a: {  	[sflag:s21] =	ssyncset.done $0x0  }
0x4b: {  	[sflag:s21] =	ssyncadd.s32 $0xFFFFF000  }
0x4c: {  	_ =	swait.ge [sflag:s21], $0x1000  }
0x4d: {  	[sflag:s21] =	ssyncset.done $0x0  }
0x4e: {  	[sflag:s21] =	ssyncadd.s32 $0xFFFFF000  }
0x4f: {  	_ =	swait.ge [sflag:s21], $0x1000  }
0x50: {  	[sflag:s21] =	ssyncset.done $0x0  }
0x51: {  	[sflag:s21] =	ssyncadd.s32 $0xFFFFF000  }
0x52: {  	_ =	swait.ge [sflag:s21], $0x1000  }
0x53: {  	[sflag:s21] =	ssyncset.done $0x0  }
0x54: {  	[sflag:s21] =	ssyncadd.s32 $0xFFFFF000  }
0x55: {  	_ =	swait.ge [sflag:s21], $0x1000  }
0x56: {  	[sflag:s21] =	ssyncset.done $0x0  }
0x57: {  	[sflag:s21] =	ssyncadd.s32 $0xFFFFF000  }
0x58: {  	_ =	swait.ge [sflag:s21], $0x1000  }
0x59: {  	[sflag:s21] =	ssyncset.done $0x0  }
0x5a: {  	[sflag:s21] =	ssyncadd.s32 $0xFFFFF000  }
0x5b: {  	_ =	swait.ge [sflag:s21], $0x1000  }
0x5c: {  	[sflag:s21] =	ssyncset.done $0x0  }
0x5d: {  	[sflag:s21] =	ssyncadd.s32 $0xFFFFF000  }
0x5e: {  	_ =	swait.ge [sflag:s21], $0x1000  }
.Ltmp1:
0x5f: {  	[sflag:s21] =	ssyncset.done $0x0;
	(pc) =	sbr.rel @p0 .LBB2_1-.Ltmp1, $4  }
0x60: {  	[sflag:s21] =	ssyncadd.s32 $0xFFFFF000  }
0x61: {  	[hbm4b:s22+s2] =	stream.linear.scatter [tilespmem:s7], [sflag:$0x2], $0x8000, $0x38;
	[tilespmem:$0x8400] =	vst v63  }
0x62: {  	_ =	swait.ge [sflag:s3], $0x8000  }
0x63: {  	[sflag:s3] =	ssyncset.done $0x0  }
.LBB2_2:
0x64: {  	[sflag:s3] =	ssyncadd.s32 $0xFFFF8000  }
0x65: {  	_ =	sfence.sel $0x180000  }
0x66: {  	[bflag:$0x0] =	sbarrier.arrive $0xFFFF  }
0x67: {  	p0 =	sne.s32 s0, $0x0;
	_ =	strace $0x90000047  }
0x68: {  	s0 =	sadd.s32 @!p0 $0x100000, s1;
	[bflag:$0x2] =	sbarrier.arrive $0xFFFF  }
0x69: {  	[sflag:s0] =	ssyncadd.tile.s32 @!p0 $0x1;
	_ =	shalt  }
.Lfunc_end2:
_tile_overlayer_lowered:
.L_overlay_start_2:
0x6a: {  	(tag) =	ssettag $0x2  }
0x6b: {  	s0 =	rddreg [dreg:$0x0];
	s2 =	stileid.u32  }
0x6c: {  	s1 =	rddreg [dreg:$0x1];
	p0 =	sne.s32 s2, $0x0  }
0x6d: {  	s3 =	rddreg [dreg:$0x2];
	[bflag:$0x3] =	sbarrier.arrive $0xFFFF;
	s2 =	simm.s32 @!p0 $0x1C02  }
0x6e: {  	[timem:s3], [sflag:s2] =	dma.local @!p0 [hbm:s0], s1  }
0x6f: {  	s0 =	simm.s32 @!p0 $0x2  }
0x70: {  	_ =	swait.ge @!p0 [sflag:s0], s1  }
0x71: {  	s1 =	ssub.s32 @!p0 $0x0, s1;
	[sflag:s0] =	ssyncset.done @!p0 $0x0  }
0x72: {  	[sflag:s0] =	ssyncadd.s32 @!p0 s1  }
0x73: {  	[bflag:$0x3] =	sbarrier.arrive $0xFFFF  }
0x74: {  	_ =	shalt  }

</sc_bundles>
